<compile_context>
chip_gen: v7x
topology: tpu7x:2x2x1
jax: 0.10.2.dev20260603
libtpu: 0.0.44.dev20260713+nightly
codegen_flags: <defaults>
</compile_context>

<pallas_src>
import functools

import jax
import jax.numpy as jnp
from jax import lax
from jax.experimental import pallas as pl
from jax.experimental.pallas import tpu as pltpu
from jax.experimental.pallas import tpu_sc as plsc

B = 8
N = 16384
S = 512
K = 16
C = 6
L = 16
NCHUNK = N // L
WPB = 4
ROWS_PER_W = S // WPB
HALF_ROWS = ROWS_PER_W // 2
STAGE = HALF_ROWS * K * C
BIG_F = 3.0e38
BIG_I = 2147483647


def _body(x_hbm, out_hbm, xb_v, dist_v, knn_v, stage_v):
    iota = lax.iota(jnp.int32, L)

    cid = lax.axis_index("c")
    sid = lax.axis_index("s")
    wid = sid * 2 + cid
    b = wid // WPB
    j = wid % WPB
    row_lo = j * ROWS_PER_W

    pltpu.sync_copy(x_hbm.at[b], xb_v)

    def splat_f(v):
        return jnp.full((L,), v, dtype=jnp.float32)

    def splat_i(v):
        return jnp.full((L,), v, dtype=jnp.int32)

    def init_chunk(ch, _):
        plsc.store_scatter(dist_v, [iota + ch * L], splat_f(1e10))
        return 0
    lax.fori_loop(0, NCHUNK, init_chunk, 0)

    iota6 = iota * C
    U = 4

    def fps_iter(i, farthest):
        fidx6 = splat_i(farthest * C)
        cx = plsc.load_gather(xb_v, [fidx6])
        cy = plsc.load_gather(xb_v, [fidx6 + 1])
        cz = plsc.load_gather(xb_v, [fidx6 + 2])
        is_owner = jnp.logical_and(i >= row_lo, i < row_lo + ROWS_PER_W)

        def dist_chunk(g, u):
            pidx = iota + (g * (U * L) + u * L)
            pidx6 = iota6 + (g * (U * L * C) + u * (L * C))
            px = plsc.load_gather(xb_v, [pidx6])
            py = plsc.load_gather(xb_v, [pidx6 + 1])
            pz = plsc.load_gather(xb_v, [pidx6 + 2])
            dx = px - cx
            dy = py - cy
            dz = pz - cz
            return pidx, dx * dx + dy * dy + dz * dz

        def light_group(g, carry):
            avs, ais = carry
            avs, ais = list(avs), list(ais)
            for u in range(U):
                pidx, d = dist_chunk(g, u)
                dold = plsc.load_gather(dist_v, [pidx])
                dnew = jnp.minimum(dold, d)
                plsc.store_scatter(dist_v, [pidx], dnew)
                m = dnew > avs[u]
                avs[u] = jnp.where(m, dnew, avs[u])
                ais[u] = jnp.where(m, pidx, ais[u])
            return tuple(avs), tuple(ais)

        avs, ais = lax.fori_loop(
            0, NCHUNK // U, light_group,
            (tuple(splat_f(-1.0) for _ in range(U)),
             tuple(splat_i(0) for _ in range(U))))

        rmax, ridx = avs[0], ais[0]
        for u in range(1, U):
            take = jnp.logical_or(
                avs[u] > rmax,
                jnp.logical_and(avs[u] == rmax, ais[u] < ridx))
            rmax = jnp.where(take, avs[u], rmax)
            ridx = jnp.where(take, ais[u], ridx)

        @pl.when(is_owner)
        def _():
            def merge_one(d, pidx, tv, ti):
                cs, ci = plsc.sort_key_val(d, pidx)
                csr = jnp.flip(cs, 0)
                cir = jnp.flip(ci, 0)
                take = csr < tv
                mv = jnp.where(take, csr, tv)
                mi = jnp.where(take, cir, ti)
                tv2, ti2 = plsc.sort_key_val(mv, mi)
                return tv2, ti2, splat_f(jnp.max(tv2))

            def topk_group(g, carry):
                tv, ti, kth = carry
                ds = []
                for u in range(U):
                    ds.append(dist_chunk(g, u))
                hit = jnp.zeros((L,), jnp.bool_)
                for u in range(U):
                    hit = jnp.logical_or(hit, ds[u][1] < kth)

                def do_merges(args):
                    tv, ti, kth = args
                    for u in range(U):
                        pidx, d = ds[u]

                        def m1(a, d=d, pidx=pidx):
                            return merge_one(d, pidx, a[0], a[1])

                        tv, ti, kth = lax.cond(
                            jnp.any(d < kth), m1, lambda a: a, (tv, ti, kth))
                    return tv, ti, kth

                return lax.cond(
                    jnp.any(hit), do_merges, lambda a: a, (tv, ti, kth))

            _, topi, _ = lax.fori_loop(
                0, NCHUNK // U, topk_group,
                (splat_f(BIG_F), splat_i(0), splat_f(BIG_F)))
            plsc.store_scatter(knn_v, [iota + (i - row_lo) * K], topi)

        mval = jnp.max(rmax)
        cand = jnp.where(rmax == splat_f(mval), ridx, splat_i(BIG_I))
        return jnp.min(cand)

    lax.fori_loop(0, S, fps_iter, jnp.int32(0))

    out_base = b * (S * K * C) + j * (ROWS_PER_W * K * C)
    for half in range(2):
        def gather_row(r, _):
            row = half * HALF_ROWS + r
            idxv = plsc.load_gather(knn_v, [iota + row * K])
            sbase = r * (K * C)
            idx6 = idxv * C
            for c in range(C):
                vals = plsc.load_gather(xb_v, [idx6 + c])
                plsc.store_scatter(stage_v, [iota * C + (sbase + c)], vals)
            return 0
        lax.fori_loop(0, HALF_ROWS, gather_row, 0)
        pltpu.sync_copy(
            stage_v, out_hbm.at[pl.ds(out_base + half * STAGE, STAGE)])


@jax.jit
def kernel(x):
    mesh = plsc.VectorSubcoreMesh(core_axis_name="c", subcore_axis_name="s")
    run = pl.kernel(
        _body,
        out_type=jax.ShapeDtypeStruct((B * S * K * C,), jnp.float32),
        mesh=mesh,
        compiler_params=pltpu.CompilerParams(needs_layout_passes=False),
        scratch_types=[
            pltpu.VMEM((N * C,), jnp.float32),
            pltpu.VMEM((N,), jnp.float32),
            pltpu.VMEM((ROWS_PER_W * K,), jnp.int32),
            pltpu.VMEM((STAGE,), jnp.float32),
        ],
    )
    return run(x.reshape(B, N * C)).reshape(B, S, K, C)

# --- scband reference (transcript-rebuilt; emitter-appended) ---
"""Pipeline reference for scband-develop7-44392781971912 (READ-ONLY COPY).

The authoritative reference and input builder live on the scoring server;
editing this copy changes nothing except your own understanding.
"""

import jax, jax.numpy as jnp
import numpy as np

POINTS = 512
KNN = 16

def setup_inputs(seed: int = 0) -> dict:
    key = jax.random.key(seed)
    x = jax.random.normal(key, (8, 16384, 6), dtype=jnp.float32)
    return {"x": x}

def _fps(xyz, npoint):
    # Farthest point sampling. Torch reference seeds `farthest` with randint;
    # we use index 0 deterministically (same algorithm, deterministic start).
    B, N, _ = xyz.shape
    distance = jnp.full((B, N), 1e10, dtype=xyz.dtype)
    farthest = jnp.zeros((B,), dtype=jnp.int32)
    centroids = jnp.zeros((B, npoint), dtype=jnp.int32)
    batch_idx = jnp.arange(B)
    def body(i, carry):
        centroids, distance, farthest = carry
        centroids = centroids.at[:, i].set(farthest)
        centroid = xyz[batch_idx, farthest][:, None, :]
        dist = jnp.sum((xyz - centroid) ** 2, -1)
        distance = jnp.minimum(distance, dist)
        farthest = jnp.argmax(distance, -1).astype(jnp.int32)
        return (centroids, distance, farthest)
    centroids, _, _ = jax.lax.fori_loop(0, npoint, body, (centroids, distance, farthest))
    return centroids

def reference(x):
    # FPSKNNGrouper.forward: x [B, N, 3+c] -> grouped_points [B, POINTS, KNN, 3+c]
    B = x.shape[0]
    xyz = jax.lax.stop_gradient(x[:, :, :3])
    fps_idx = _fps(xyz, POINTS)                      # [B, S] int32
    bidx = jnp.arange(B)[:, None]
    sampled = x[bidx, fps_idx]                       # [B, S, C] (index_points)
    # square_distance(sampled_xyz, xyz): [B, S, N]
    dists = jnp.sum((jax.lax.stop_gradient(sampled[:, :, :3])[:, :, None, :] - xyz[:, None, :, :]) ** 2, -1)
    knn_idx = jnp.argsort(dists, axis=-1)[:, :, :KNN]  # [B, S, K]
    grouped = x[jnp.arange(B)[:, None, None], knn_idx] # [B, S, K, C] gather
    return grouped

if __name__ == "__main__":
    import jax
    _d = setup_inputs()
    print(jax.jit(kernel)(*tuple(_d.values())))

</pallas_src>

<mosaic_0001>
#map = affine_map<(d0, d1) -> (0, 0)>
#map1 = affine_map<(d0, d1) -> (0)>
module attributes {stable_mosaic.version = 14 : i64} {
  func.func @_body(%arg0: i32, %arg1: i32, %arg2: memref<8x98304xf32, #tpu.memory_space<hbm>>, %arg3: memref<393216xf32, #tpu.memory_space<hbm>>, %arg4: memref<98304xf32, #tpu.memory_space<vmem>>, %arg5: memref<16384xf32, #tpu.memory_space<vmem>>, %arg6: memref<2048xi32, #tpu.memory_space<vmem>>, %arg7: memref<6144xf32, #tpu.memory_space<vmem>>) attributes {dimension_semantics = [#tpu.dimension_semantics<core_parallel>, #tpu.dimension_semantics<subcore_parallel>], iteration_bounds = array<i64: 2, 16>, scalar_prefetch = 0 : i64, scratch_operands = 4 : i64, tpu.core_type = #tpu.core_type<sc_vector_subcore>, window_params = [{transform_indices = #map}, {transform_indices = #map1}]} {
    %iota3A = tpu.iota {dimensions = array<i32: 0>} : vector<16xi32>
    %mul3A = arith.constant 2 : i32
    %mul3A_0 = arith.muli %arg1, %mul3A : i32
    %add3A = arith.addi %mul3A_0, %arg0 : i32
    %jit3A = arith.constant 4 : i32
    %div3A = arith.divsi %add3A, %jit3A : i32
    %sign3A = arith.constant 0 : i32
    %sign3A_1 = arith.cmpi sgt, %add3A, %sign3A : i32
    %sign3A_2 = arith.extui %sign3A_1 : i1 to i32
    %sign3A_3 = arith.constant 0 : i32
    %sign3A_4 = arith.cmpi slt, %add3A, %sign3A_3 : i32
    %sign3A_5 = arith.extui %sign3A_4 : i1 to i32
    %sign3A_6 = arith.subi %sign3A_2, %sign3A_5 : i32
    %sign3A_7 = arith.constant 0 : i32
    %sign3A_8 = arith.cmpi sgt, %jit3A, %sign3A_7 : i32
    %sign3A_9 = arith.extui %sign3A_8 : i1 to i32
    %sign3A_10 = arith.constant 0 : i32
    %sign3A_11 = arith.cmpi slt, %jit3A, %sign3A_10 : i32
    %sign3A_12 = arith.extui %sign3A_11 : i1 to i32
    %sign3A_13 = arith.subi %sign3A_9, %sign3A_12 : i32
    %ne3A = arith.cmpi ne, %sign3A_6, %sign3A_13 : i32
    %rem3A = arith.remsi %add3A, %jit3A : i32
    %ne3A_14 = arith.constant 0 : i32
    %ne3A_15 = arith.cmpi ne, %rem3A, %ne3A_14 : i32
    %and3A = arith.andi %ne3A, %ne3A_15 : i1
    %sub3A = arith.constant 1 : i32
    %sub3A_16 = arith.subi %div3A, %sub3A : i32
    %select_n3A = arith.select %and3A, %sub3A_16, %div3A : i32
    %jit3A_17 = arith.constant 4 : i32
    %eq3A = arith.constant 0 : i32
    %eq3A_18 = arith.cmpi eq, %jit3A_17, %eq3A : i32
    %jit3A_19 = arith.constant 1 : i32
    %select_n3A_20 = arith.select %eq3A_18, %jit3A_19, %jit3A_17 : i32
    %rem3A_21 = arith.remsi %add3A, %select_n3A_20 : i32
    %ne3A_22 = arith.constant 0 : i32
    %ne3A_23 = arith.cmpi ne, %rem3A_21, %ne3A_22 : i32
    %lt3A = arith.constant 0 : i32
    %lt3A_24 = arith.cmpi slt, %rem3A_21, %lt3A : i32
    %lt3A_25 = arith.constant 0 : i32
    %lt3A_26 = arith.cmpi slt, %select_n3A_20, %lt3A_25 : i32
    %ne3A_27 = arith.xori %lt3A_24, %lt3A_26 : i1
    %and3A_28 = arith.andi %ne3A_27, %ne3A_23 : i1
    %add3A_29 = arith.addi %rem3A_21, %select_n3A_20 : i32
    %select_n3A_30 = arith.select %and3A_28, %add3A_29, %rem3A_21 : i32
    %mul3A_31 = arith.constant 128 : i32
    %mul3A_32 = arith.muli %select_n3A_30, %mul3A_31 : i32
    "tpu.region"() ({
      %run_scoped3A = tpu.sem_alloc : memref<!tpu.dma_semaphore, #tpu.memory_space<semaphore_mem>>
      %dma_start3A = arith.constant 0 : i32
      %dma_start3A_72 = tpu.memref_slice %arg2[%select_n3A, %dma_start3A] : memref<8x98304xf32, #tpu.memory_space<hbm>> -> memref<1x98304xf32, #tpu.memory_space<hbm>>
      %dma_start3A_73 = tpu.memref_squeeze %dma_start3A_72 : memref<1x98304xf32, #tpu.memory_space<hbm>> -> memref<98304xf32, #tpu.memory_space<hbm>>
      %dma_start3A_74 = arith.constant 0 : i32
      %dma_start3A_75 = tpu.memref_slice %arg2[%select_n3A, %dma_start3A_74] : memref<8x98304xf32, #tpu.memory_space<hbm>> -> memref<1x98304xf32, #tpu.memory_space<hbm>>
      %dma_start3A_76 = tpu.memref_squeeze %dma_start3A_75 : memref<1x98304xf32, #tpu.memory_space<hbm>> -> memref<98304xf32, #tpu.memory_space<hbm>>
      tpu.enqueue_dma source(%dma_start3A_76 : memref<98304xf32, #tpu.memory_space<hbm>>) target(%arg4 : memref<98304xf32, #tpu.memory_space<vmem>>) target_semaphore(%run_scoped3A : memref<!tpu.dma_semaphore, #tpu.memory_space<semaphore_mem>>)
      %dma_wait3A = arith.constant 0 : i32
      %dma_wait3A_77 = tpu.memref_slice %arg2[%select_n3A, %dma_wait3A] : memref<8x98304xf32, #tpu.memory_space<hbm>> -> memref<1x98304xf32, #tpu.memory_space<hbm>>
      %dma_wait3A_78 = tpu.memref_squeeze %dma_wait3A_77 : memref<1x98304xf32, #tpu.memory_space<hbm>> -> memref<98304xf32, #tpu.memory_space<hbm>>
      %dma_wait3A_79 = arith.constant 0 : i32
      %dma_wait3A_80 = tpu.memref_slice %arg2[%select_n3A, %dma_wait3A_79] : memref<8x98304xf32, #tpu.memory_space<hbm>> -> memref<1x98304xf32, #tpu.memory_space<hbm>>
      %dma_wait3A_81 = tpu.memref_squeeze %dma_wait3A_80 : memref<1x98304xf32, #tpu.memory_space<hbm>> -> memref<98304xf32, #tpu.memory_space<hbm>>
      tpu.wait_dma2 semaphore(%run_scoped3A : memref<!tpu.dma_semaphore, #tpu.memory_space<semaphore_mem>>) src(%dma_wait3A_81 : memref<98304xf32, #tpu.memory_space<hbm>>) dst(%arg4 : memref<98304xf32, #tpu.memory_space<vmem>>)
      tpu.yield
    }) : () -> ()
    %scan3A = arith.constant 0 : i32
    %scan3A_33 = arith.constant 0 : i32
    %scan3A_34 = arith.constant 1024 : i32
    %scan3A_35 = arith.addi %scan3A_33, %scan3A_34 : i32
    %scan3A_36 = arith.constant 1 : i32
    %scan3A_37 = scf.for %scan3A_72 = %scan3A_33 to %scan3A_35 step %scan3A_36 iter_args(%scan3A_73 = %scan3A) -> (i32)  : i32 {
      %mul3A_74 = arith.constant 16 : i32
      %mul3A_75 = arith.muli %scan3A_72, %mul3A_74 : i32
      %add3A_76 = vector.broadcast %mul3A_75 : i32 to vector<16xi32>
      %add3A_77 = arith.addi %iota3A, %add3A_76 : vector<16xi32>
      %broadcast_in_dim3A = arith.constant 1.000000e+10 : f32
      %broadcast_in_dim3A_78 = vector.broadcast %broadcast_in_dim3A : f32 to vector<16xf32>
      tpu.vector_store_idx %arg5[%add3A_77], %broadcast_in_dim3A_78 : memref<16384xf32, #tpu.memory_space<vmem>>[vector<16xi32>], vector<16xf32>,
      %scan3A_79 = arith.constant 0 : i32
      scf.yield %scan3A_79 : i32
    }
    %scan3A_38 = arith.constant 1024 : i32
    %mul3A_39 = arith.constant 6 : i32
    %mul3A_40 = vector.broadcast %mul3A_39 : i32 to vector<16xi32>
    %mul3A_41 = arith.muli %iota3A, %mul3A_40 : vector<16xi32>
    %scan3A_42 = arith.constant 0 : i32
    %scan3A_43 = arith.constant 0 : i32
    %scan3A_44 = arith.constant 512 : i32
    %scan3A_45 = arith.addi %scan3A_43, %scan3A_44 : i32
    %scan3A_46 = arith.constant 1 : i32
    %scan3A_47 = scf.for %scan3A_72 = %scan3A_43 to %scan3A_45 step %scan3A_46 iter_args(%scan3A_73 = %scan3A_42) -> (i32)  : i32 {
      %mul3A_74 = arith.constant 6 : i32
      %mul3A_75 = arith.muli %scan3A_73, %mul3A_74 : i32
      %broadcast_in_dim3A = vector.broadcast %mul3A_75 : i32 to vector<16xi32>
      %gather3A = tpu.vector_load_idx %arg4[%broadcast_in_dim3A] : memref<98304xf32, #tpu.memory_space<vmem>>[vector<16xi32>], vector<16xf32>,
      %add3A_76 = arith.constant 1 : i32
      %add3A_77 = vector.broadcast %add3A_76 : i32 to vector<16xi32>
      %add3A_78 = arith.addi %broadcast_in_dim3A, %add3A_77 : vector<16xi32>
      %gather3A_79 = tpu.vector_load_idx %arg4[%add3A_78] : memref<98304xf32, #tpu.memory_space<vmem>>[vector<16xi32>], vector<16xf32>,
      %add3A_80 = arith.constant 2 : i32
      %add3A_81 = vector.broadcast %add3A_80 : i32 to vector<16xi32>
      %add3A_82 = arith.addi %broadcast_in_dim3A, %add3A_81 : vector<16xi32>
      %gather3A_83 = tpu.vector_load_idx %arg4[%add3A_82] : memref<98304xf32, #tpu.memory_space<vmem>>[vector<16xi32>], vector<16xf32>,
      %ge3A = arith.cmpi sge, %scan3A_72, %mul3A_32 : i32
      %add3A_84 = arith.constant 128 : i32
      %add3A_85 = arith.addi %mul3A_32, %add3A_84 : i32
      %lt3A_86 = arith.cmpi slt, %scan3A_72, %add3A_85 : i32
      %and3A_87 = arith.andi %ge3A, %lt3A_86 : i1
      %broadcast_in_dim3A_88 = arith.constant -1.000000e+00 : f32
      %broadcast_in_dim3A_89 = vector.broadcast %broadcast_in_dim3A_88 : f32 to vector<16xf32>
      %broadcast_in_dim3A_90 = arith.constant -1.000000e+00 : f32
      %broadcast_in_dim3A_91 = vector.broadcast %broadcast_in_dim3A_90 : f32 to vector<16xf32>
      %broadcast_in_dim3A_92 = arith.constant -1.000000e+00 : f32
      %broadcast_in_dim3A_93 = vector.broadcast %broadcast_in_dim3A_92 : f32 to vector<16xf32>
      %broadcast_in_dim3A_94 = arith.constant -1.000000e+00 : f32
      %broadcast_in_dim3A_95 = vector.broadcast %broadcast_in_dim3A_94 : f32 to vector<16xf32>
      %broadcast_in_dim3A_96 = arith.constant 0 : i32
      %broadcast_in_dim3A_97 = vector.broadcast %broadcast_in_dim3A_96 : i32 to vector<16xi32>
      %broadcast_in_dim3A_98 = arith.constant 0 : i32
      %broadcast_in_dim3A_99 = vector.broadcast %broadcast_in_dim3A_98 : i32 to vector<16xi32>
      %broadcast_in_dim3A_100 = arith.constant 0 : i32
      %broadcast_in_dim3A_101 = vector.broadcast %broadcast_in_dim3A_100 : i32 to vector<16xi32>
      %broadcast_in_dim3A_102 = arith.constant 0 : i32
      %broadcast_in_dim3A_103 = vector.broadcast %broadcast_in_dim3A_102 : i32 to vector<16xi32>
      %scan3A_104 = arith.constant 0 : i32
      %scan3A_105 = arith.constant 256 : i32
      %scan3A_106 = arith.addi %scan3A_104, %scan3A_105 : i32
      %scan3A_107 = arith.constant 1 : i32
      %scan3A_108:8 = scf.for %scan3A_145 = %scan3A_104 to %scan3A_106 step %scan3A_107 iter_args(%scan3A_146 = %broadcast_in_dim3A_89, %scan3A_147 = %broadcast_in_dim3A_91, %scan3A_148 = %broadcast_in_dim3A_93, %scan3A_149 = %broadcast_in_dim3A_95, %scan3A_150 = %broadcast_in_dim3A_97, %scan3A_151 = %broadcast_in_dim3A_99, %scan3A_152 = %broadcast_in_dim3A_101, %scan3A_153 = %broadcast_in_dim3A_103) -> (vector<16xf32>, vector<16xf32>, vector<16xf32>, vector<16xf32>, vector<16xi32>, vector<16xi32>, vector<16xi32>, vector<16xi32>)  : i32 {
        %mul3A_154 = arith.constant 64 : i32
        %mul3A_155 = arith.muli %scan3A_145, %mul3A_154 : i32
        %add3A_156 = arith.constant 0 : i32
        %add3A_157 = arith.addi %mul3A_155, %add3A_156 : i32
        %add3A_158 = vector.broadcast %add3A_157 : i32 to vector<16xi32>
        %add3A_159 = arith.addi %iota3A, %add3A_158 : vector<16xi32>
        %mul3A_160 = arith.constant 384 : i32
        %mul3A_161 = arith.muli %scan3A_145, %mul3A_160 : i32
        %add3A_162 = arith.constant 0 : i32
        %add3A_163 = arith.addi %mul3A_161, %add3A_162 : i32
        %add3A_164 = vector.broadcast %add3A_163 : i32 to vector<16xi32>
        %add3A_165 = arith.addi %mul3A_41, %add3A_164 : vector<16xi32>
        %gather3A_166 = tpu.vector_load_idx %arg4[%add3A_165] : memref<98304xf32, #tpu.memory_space<vmem>>[vector<16xi32>], vector<16xf32>,
        %add3A_167 = arith.constant 1 : i32
        %add3A_168 = vector.broadcast %add3A_167 : i32 to vector<16xi32>
        %add3A_169 = arith.addi %add3A_165, %add3A_168 : vector<16xi32>
        %gather3A_170 = tpu.vector_load_idx %arg4[%add3A_169] : memref<98304xf32, #tpu.memory_space<vmem>>[vector<16xi32>], vector<16xf32>,
        %add3A_171 = arith.constant 2 : i32
        %add3A_172 = vector.broadcast %add3A_171 : i32 to vector<16xi32>
        %add3A_173 = arith.addi %add3A_165, %add3A_172 : vector<16xi32>
        %gather3A_174 = tpu.vector_load_idx %arg4[%add3A_173] : memref<98304xf32, #tpu.memory_space<vmem>>[vector<16xi32>], vector<16xf32>,
        %sub3A_175 = arith.subf %gather3A_166, %gather3A : vector<16xf32>
        %sub3A_176 = arith.subf %gather3A_170, %gather3A_79 : vector<16xf32>
        %sub3A_177 = arith.subf %gather3A_174, %gather3A_83 : vector<16xf32>
        %mul3A_178 = arith.mulf %sub3A_175, %sub3A_175 : vector<16xf32>
        %mul3A_179 = arith.mulf %sub3A_176, %sub3A_176 : vector<16xf32>
        %add3A_180 = arith.addf %mul3A_178, %mul3A_179 : vector<16xf32>
        %mul3A_181 = arith.mulf %sub3A_177, %sub3A_177 : vector<16xf32>
        %add3A_182 = arith.addf %add3A_180, %mul3A_181 : vector<16xf32>
        %gather3A_183 = tpu.vector_load_idx %arg5[%add3A_159] : memref<16384xf32, #tpu.memory_space<vmem>>[vector<16xi32>], vector<16xf32>,
        %min3A = arith.minimumf %gather3A_183, %add3A_182 : vector<16xf32>
        tpu.vector_store_idx %arg5[%add3A_159], %min3A : memref<16384xf32, #tpu.memory_space<vmem>>[vector<16xi32>], vector<16xf32>,
        %gt3A_184 = arith.cmpf ogt, %min3A, %scan3A_146 : vector<16xf32>
        %select_n3A_185 = arith.select %gt3A_184, %min3A, %scan3A_146 : vector<16xi1>, vector<16xf32>
        %select_n3A_186 = arith.select %gt3A_184, %add3A_159, %scan3A_150 : vector<16xi1>, vector<16xi32>
        %mul3A_187 = arith.constant 64 : i32
        %mul3A_188 = arith.muli %scan3A_145, %mul3A_187 : i32
        %add3A_189 = arith.constant 16 : i32
        %add3A_190 = arith.addi %mul3A_188, %add3A_189 : i32
        %add3A_191 = vector.broadcast %add3A_190 : i32 to vector<16xi32>
        %add3A_192 = arith.addi %iota3A, %add3A_191 : vector<16xi32>
        %mul3A_193 = arith.constant 384 : i32
        %mul3A_194 = arith.muli %scan3A_145, %mul3A_193 : i32
        %add3A_195 = arith.constant 96 : i32
        %add3A_196 = arith.addi %mul3A_194, %add3A_195 : i32
        %add3A_197 = vector.broadcast %add3A_196 : i32 to vector<16xi32>
        %add3A_198 = arith.addi %mul3A_41, %add3A_197 : vector<16xi32>
        %gather3A_199 = tpu.vector_load_idx %arg4[%add3A_198] : memref<98304xf32, #tpu.memory_space<vmem>>[vector<16xi32>], vector<16xf32>,
        %add3A_200 = arith.constant 1 : i32
        %add3A_201 = vector.broadcast %add3A_200 : i32 to vector<16xi32>
        %add3A_202 = arith.addi %add3A_198, %add3A_201 : vector<16xi32>
        %gather3A_203 = tpu.vector_load_idx %arg4[%add3A_202] : memref<98304xf32, #tpu.memory_space<vmem>>[vector<16xi32>], vector<16xf32>,
        %add3A_204 = arith.constant 2 : i32
        %add3A_205 = vector.broadcast %add3A_204 : i32 to vector<16xi32>
        %add3A_206 = arith.addi %add3A_198, %add3A_205 : vector<16xi32>
        %gather3A_207 = tpu.vector_load_idx %arg4[%add3A_206] : memref<98304xf32, #tpu.memory_space<vmem>>[vector<16xi32>], vector<16xf32>,
        %sub3A_208 = arith.subf %gather3A_199, %gather3A : vector<16xf32>
        %sub3A_209 = arith.subf %gather3A_203, %gather3A_79 : vector<16xf32>
        %sub3A_210 = arith.subf %gather3A_207, %gather3A_83 : vector<16xf32>
        %mul3A_211 = arith.mulf %sub3A_208, %sub3A_208 : vector<16xf32>
        %mul3A_212 = arith.mulf %sub3A_209, %sub3A_209 : vector<16xf32>
        %add3A_213 = arith.addf %mul3A_211, %mul3A_212 : vector<16xf32>
        %mul3A_214 = arith.mulf %sub3A_210, %sub3A_210 : vector<16xf32>
        %add3A_215 = arith.addf %add3A_213, %mul3A_214 : vector<16xf32>
        %gather3A_216 = tpu.vector_load_idx %arg5[%add3A_192] : memref<16384xf32, #tpu.memory_space<vmem>>[vector<16xi32>], vector<16xf32>,
        %min3A_217 = arith.minimumf %gather3A_216, %add3A_215 : vector<16xf32>
        tpu.vector_store_idx %arg5[%add3A_192], %min3A_217 : memref<16384xf32, #tpu.memory_space<vmem>>[vector<16xi32>], vector<16xf32>,
        %gt3A_218 = arith.cmpf ogt, %min3A_217, %scan3A_147 : vector<16xf32>
        %select_n3A_219 = arith.select %gt3A_218, %min3A_217, %scan3A_147 : vector<16xi1>, vector<16xf32>
        %select_n3A_220 = arith.select %gt3A_218, %add3A_192, %scan3A_151 : vector<16xi1>, vector<16xi32>
        %mul3A_221 = arith.constant 64 : i32
        %mul3A_222 = arith.muli %scan3A_145, %mul3A_221 : i32
        %add3A_223 = arith.constant 32 : i32
        %add3A_224 = arith.addi %mul3A_222, %add3A_223 : i32
        %add3A_225 = vector.broadcast %add3A_224 : i32 to vector<16xi32>
        %add3A_226 = arith.addi %iota3A, %add3A_225 : vector<16xi32>
        %mul3A_227 = arith.constant 384 : i32
        %mul3A_228 = arith.muli %scan3A_145, %mul3A_227 : i32
        %add3A_229 = arith.constant 192 : i32
        %add3A_230 = arith.addi %mul3A_228, %add3A_229 : i32
        %add3A_231 = vector.broadcast %add3A_230 : i32 to vector<16xi32>
        %add3A_232 = arith.addi %mul3A_41, %add3A_231 : vector<16xi32>
        %gather3A_233 = tpu.vector_load_idx %arg4[%add3A_232] : memref<98304xf32, #tpu.memory_space<vmem>>[vector<16xi32>], vector<16xf32>,
        %add3A_234 = arith.constant 1 : i32
        %add3A_235 = vector.broadcast %add3A_234 : i32 to vector<16xi32>
        %add3A_236 = arith.addi %add3A_232, %add3A_235 : vector<16xi32>
        %gather3A_237 = tpu.vector_load_idx %arg4[%add3A_236] : memref<98304xf32, #tpu.memory_space<vmem>>[vector<16xi32>], vector<16xf32>,
        %add3A_238 = arith.constant 2 : i32
        %add3A_239 = vector.broadcast %add3A_238 : i32 to vector<16xi32>
        %add3A_240 = arith.addi %add3A_232, %add3A_239 : vector<16xi32>
        %gather3A_241 = tpu.vector_load_idx %arg4[%add3A_240] : memref<98304xf32, #tpu.memory_space<vmem>>[vector<16xi32>], vector<16xf32>,
        %sub3A_242 = arith.subf %gather3A_233, %gather3A : vector<16xf32>
        %sub3A_243 = arith.subf %gather3A_237, %gather3A_79 : vector<16xf32>
        %sub3A_244 = arith.subf %gather3A_241, %gather3A_83 : vector<16xf32>
        %mul3A_245 = arith.mulf %sub3A_242, %sub3A_242 : vector<16xf32>
        %mul3A_246 = arith.mulf %sub3A_243, %sub3A_243 : vector<16xf32>
        %add3A_247 = arith.addf %mul3A_245, %mul3A_246 : vector<16xf32>
        %mul3A_248 = arith.mulf %sub3A_244, %sub3A_244 : vector<16xf32>
        %add3A_249 = arith.addf %add3A_247, %mul3A_248 : vector<16xf32>
        %gather3A_250 = tpu.vector_load_idx %arg5[%add3A_226] : memref<16384xf32, #tpu.memory_space<vmem>>[vector<16xi32>], vector<16xf32>,
        %min3A_251 = arith.minimumf %gather3A_250, %add3A_249 : vector<16xf32>
        tpu.vector_store_idx %arg5[%add3A_226], %min3A_251 : memref<16384xf32, #tpu.memory_space<vmem>>[vector<16xi32>], vector<16xf32>,
        %gt3A_252 = arith.cmpf ogt, %min3A_251, %scan3A_148 : vector<16xf32>
        %select_n3A_253 = arith.select %gt3A_252, %min3A_251, %scan3A_148 : vector<16xi1>, vector<16xf32>
        %select_n3A_254 = arith.select %gt3A_252, %add3A_226, %scan3A_152 : vector<16xi1>, vector<16xi32>
        %mul3A_255 = arith.constant 64 : i32
        %mul3A_256 = arith.muli %scan3A_145, %mul3A_255 : i32
        %add3A_257 = arith.constant 48 : i32
        %add3A_258 = arith.addi %mul3A_256, %add3A_257 : i32
        %add3A_259 = vector.broadcast %add3A_258 : i32 to vector<16xi32>
        %add3A_260 = arith.addi %iota3A, %add3A_259 : vector<16xi32>
        %mul3A_261 = arith.constant 384 : i32
        %mul3A_262 = arith.muli %scan3A_145, %mul3A_261 : i32
        %add3A_263 = arith.constant 288 : i32
        %add3A_264 = arith.addi %mul3A_262, %add3A_263 : i32
        %add3A_265 = vector.broadcast %add3A_264 : i32 to vector<16xi32>
        %add3A_266 = arith.addi %mul3A_41, %add3A_265 : vector<16xi32>
        %gather3A_267 = tpu.vector_load_idx %arg4[%add3A_266] : memref<98304xf32, #tpu.memory_space<vmem>>[vector<16xi32>], vector<16xf32>,
        %add3A_268 = arith.constant 1 : i32
        %add3A_269 = vector.broadcast %add3A_268 : i32 to vector<16xi32>
        %add3A_270 = arith.addi %add3A_266, %add3A_269 : vector<16xi32>
        %gather3A_271 = tpu.vector_load_idx %arg4[%add3A_270] : memref<98304xf32, #tpu.memory_space<vmem>>[vector<16xi32>], vector<16xf32>,
        %add3A_272 = arith.constant 2 : i32
        %add3A_273 = vector.broadcast %add3A_272 : i32 to vector<16xi32>
        %add3A_274 = arith.addi %add3A_266, %add3A_273 : vector<16xi32>
        %gather3A_275 = tpu.vector_load_idx %arg4[%add3A_274] : memref<98304xf32, #tpu.memory_space<vmem>>[vector<16xi32>], vector<16xf32>,
        %sub3A_276 = arith.subf %gather3A_267, %gather3A : vector<16xf32>
        %sub3A_277 = arith.subf %gather3A_271, %gather3A_79 : vector<16xf32>
        %sub3A_278 = arith.subf %gather3A_275, %gather3A_83 : vector<16xf32>
        %mul3A_279 = arith.mulf %sub3A_276, %sub3A_276 : vector<16xf32>
        %mul3A_280 = arith.mulf %sub3A_277, %sub3A_277 : vector<16xf32>
        %add3A_281 = arith.addf %mul3A_279, %mul3A_280 : vector<16xf32>
        %mul3A_282 = arith.mulf %sub3A_278, %sub3A_278 : vector<16xf32>
        %add3A_283 = arith.addf %add3A_281, %mul3A_282 : vector<16xf32>
        %gather3A_284 = tpu.vector_load_idx %arg5[%add3A_260] : memref<16384xf32, #tpu.memory_space<vmem>>[vector<16xi32>], vector<16xf32>,
        %min3A_285 = arith.minimumf %gather3A_284, %add3A_283 : vector<16xf32>
        tpu.vector_store_idx %arg5[%add3A_260], %min3A_285 : memref<16384xf32, #tpu.memory_space<vmem>>[vector<16xi32>], vector<16xf32>,
        %gt3A_286 = arith.cmpf ogt, %min3A_285, %scan3A_149 : vector<16xf32>
        %select_n3A_287 = arith.select %gt3A_286, %min3A_285, %scan3A_149 : vector<16xi1>, vector<16xf32>
        %select_n3A_288 = arith.select %gt3A_286, %add3A_260, %scan3A_153 : vector<16xi1>, vector<16xi32>
        scf.yield %select_n3A_185, %select_n3A_219, %select_n3A_253, %select_n3A_287, %select_n3A_186, %select_n3A_220, %select_n3A_254, %select_n3A_288 : vector<16xf32>, vector<16xf32>, vector<16xf32>, vector<16xf32>, vector<16xi32>, vector<16xi32>, vector<16xi32>, vector<16xi32>
      }
      %scan3A_109 = arith.constant 256 : i32
      %gt3A = arith.cmpf ogt, %scan3A_108#1, %scan3A_108#0 : vector<16xf32>
      %eq3A_110 = arith.cmpf oeq, %scan3A_108#1, %scan3A_108#0 : vector<16xf32>
      %lt3A_111 = arith.cmpi slt, %scan3A_108#5, %scan3A_108#4 : vector<16xi32>
      %and3A_112 = arith.andi %eq3A_110, %lt3A_111 : vector<16xi1>
      %or3A = arith.ori %gt3A, %and3A_112 : vector<16xi1>
      %select_n3A_113 = arith.select %or3A, %scan3A_108#1, %scan3A_108#0 : vector<16xi1>, vector<16xf32>
      %select_n3A_114 = arith.select %or3A, %scan3A_108#5, %scan3A_108#4 : vector<16xi1>, vector<16xi32>
      %gt3A_115 = arith.cmpf ogt, %scan3A_108#2, %select_n3A_113 : vector<16xf32>
      %eq3A_116 = arith.cmpf oeq, %scan3A_108#2, %select_n3A_113 : vector<16xf32>
      %lt3A_117 = arith.cmpi slt, %scan3A_108#6, %select_n3A_114 : vector<16xi32>
      %and3A_118 = arith.andi %eq3A_116, %lt3A_117 : vector<16xi1>
      %or3A_119 = arith.ori %gt3A_115, %and3A_118 : vector<16xi1>
      %select_n3A_120 = arith.select %or3A_119, %scan3A_108#2, %select_n3A_113 : vector<16xi1>, vector<16xf32>
      %select_n3A_121 = arith.select %or3A_119, %scan3A_108#6, %select_n3A_114 : vector<16xi1>, vector<16xi32>
      %gt3A_122 = arith.cmpf ogt, %scan3A_108#3, %select_n3A_120 : vector<16xf32>
      %eq3A_123 = arith.cmpf oeq, %scan3A_108#3, %select_n3A_120 : vector<16xf32>
      %lt3A_124 = arith.cmpi slt, %scan3A_108#7, %select_n3A_121 : vector<16xi32>
      %and3A_125 = arith.andi %eq3A_123, %lt3A_124 : vector<16xi1>
      %or3A_126 = arith.ori %gt3A_122, %and3A_125 : vector<16xi1>
      %select_n3A_127 = arith.select %or3A_126, %scan3A_108#3, %select_n3A_120 : vector<16xi1>, vector<16xf32>
      %select_n3A_128 = arith.select %or3A_126, %scan3A_108#7, %select_n3A_121 : vector<16xi1>, vector<16xi32>
      %convert_element_type3A = arith.extui %and3A_87 : i1 to i32
      %cond3A = arith.constant 0 : i32
      %cond3A_129 = arith.cmpi ne, %convert_element_type3A, %cond3A : i32
      scf.if %cond3A_129 {
        %broadcast_in_dim3A_145 = arith.constant 3.000000e+38 : f32
        %broadcast_in_dim3A_146 = vector.broadcast %broadcast_in_dim3A_145 : f32 to vector<16xf32>
        %broadcast_in_dim3A_147 = arith.constant 0 : i32
        %broadcast_in_dim3A_148 = vector.broadcast %broadcast_in_dim3A_147 : i32 to vector<16xi32>
        %broadcast_in_dim3A_149 = arith.constant 3.000000e+38 : f32
        %broadcast_in_dim3A_150 = vector.broadcast %broadcast_in_dim3A_149 : f32 to vector<16xf32>
        %scan3A_151 = arith.constant 0 : i32
        %scan3A_152 = arith.constant 256 : i32
        %scan3A_153 = arith.addi %scan3A_151, %scan3A_152 : i32
        %scan3A_154 = arith.constant 1 : i32
        %scan3A_155:3 = scf.for %scan3A_162 = %scan3A_151 to %scan3A_153 step %scan3A_154 iter_args(%scan3A_163 = %broadcast_in_dim3A_146, %scan3A_164 = %broadcast_in_dim3A_148, %scan3A_165 = %broadcast_in_dim3A_150) -> (vector<16xf32>, vector<16xi32>, vector<16xf32>)  : i32 {
          %mul3A_166 = arith.constant 64 : i32
          %mul3A_167 = arith.muli %scan3A_162, %mul3A_166 : i32
          %add3A_168 = arith.constant 0 : i32
          %add3A_169 = arith.addi %mul3A_167, %add3A_168 : i32
          %add3A_170 = vector.broadcast %add3A_169 : i32 to vector<16xi32>
          %add3A_171 = arith.addi %iota3A, %add3A_170 : vector<16xi32>
          %mul3A_172 = arith.constant 384 : i32
          %mul3A_173 = arith.muli %scan3A_162, %mul3A_172 : i32
          %add3A_174 = arith.constant 0 : i32
          %add3A_175 = arith.addi %mul3A_173, %add3A_174 : i32
          %add3A_176 = vector.broadcast %add3A_175 : i32 to vector<16xi32>
          %add3A_177 = arith.addi %mul3A_41, %add3A_176 : vector<16xi32>
          %gather3A_178 = tpu.vector_load_idx %arg4[%add3A_177] : memref<98304xf32, #tpu.memory_space<vmem>>[vector<16xi32>], vector<16xf32>,
          %add3A_179 = arith.constant 1 : i32
          %add3A_180 = vector.broadcast %add3A_179 : i32 to vector<16xi32>
          %add3A_181 = arith.addi %add3A_177, %add3A_180 : vector<16xi32>
          %gather3A_182 = tpu.vector_load_idx %arg4[%add3A_181] : memref<98304xf32, #tpu.memory_space<vmem>>[vector<16xi32>], vector<16xf32>,
          %add3A_183 = arith.constant 2 : i32
          %add3A_184 = vector.broadcast %add3A_183 : i32 to vector<16xi32>
          %add3A_185 = arith.addi %add3A_177, %add3A_184 : vector<16xi32>
          %gather3A_186 = tpu.vector_load_idx %arg4[%add3A_185] : memref<98304xf32, #tpu.memory_space<vmem>>[vector<16xi32>], vector<16xf32>,
          %sub3A_187 = arith.subf %gather3A_178, %gather3A : vector<16xf32>
          %sub3A_188 = arith.subf %gather3A_182, %gather3A_79 : vector<16xf32>
          %sub3A_189 = arith.subf %gather3A_186, %gather3A_83 : vector<16xf32>
          %mul3A_190 = arith.mulf %sub3A_187, %sub3A_187 : vector<16xf32>
          %mul3A_191 = arith.mulf %sub3A_188, %sub3A_188 : vector<16xf32>
          %add3A_192 = arith.addf %mul3A_190, %mul3A_191 : vector<16xf32>
          %mul3A_193 = arith.mulf %sub3A_189, %sub3A_189 : vector<16xf32>
          %add3A_194 = arith.addf %add3A_192, %mul3A_193 : vector<16xf32>
          %mul3A_195 = arith.constant 64 : i32
          %mul3A_196 = arith.muli %scan3A_162, %mul3A_195 : i32
          %add3A_197 = arith.constant 16 : i32
          %add3A_198 = arith.addi %mul3A_196, %add3A_197 : i32
          %add3A_199 = vector.broadcast %add3A_198 : i32 to vector<16xi32>
          %add3A_200 = arith.addi %iota3A, %add3A_199 : vector<16xi32>
          %mul3A_201 = arith.constant 384 : i32
          %mul3A_202 = arith.muli %scan3A_162, %mul3A_201 : i32
          %add3A_203 = arith.constant 96 : i32
          %add3A_204 = arith.addi %mul3A_202, %add3A_203 : i32
          %add3A_205 = vector.broadcast %add3A_204 : i32 to vector<16xi32>
          %add3A_206 = arith.addi %mul3A_41, %add3A_205 : vector<16xi32>
          %gather3A_207 = tpu.vector_load_idx %arg4[%add3A_206] : memref<98304xf32, #tpu.memory_space<vmem>>[vector<16xi32>], vector<16xf32>,
          %add3A_208 = arith.constant 1 : i32
          %add3A_209 = vector.broadcast %add3A_208 : i32 to vector<16xi32>
          %add3A_210 = arith.addi %add3A_206, %add3A_209 : vector<16xi32>
          %gather3A_211 = tpu.vector_load_idx %arg4[%add3A_210] : memref<98304xf32, #tpu.memory_space<vmem>>[vector<16xi32>], vector<16xf32>,
          %add3A_212 = arith.constant 2 : i32
          %add3A_213 = vector.broadcast %add3A_212 : i32 to vector<16xi32>
          %add3A_214 = arith.addi %add3A_206, %add3A_213 : vector<16xi32>
          %gather3A_215 = tpu.vector_load_idx %arg4[%add3A_214] : memref<98304xf32, #tpu.memory_space<vmem>>[vector<16xi32>], vector<16xf32>,
          %sub3A_216 = arith.subf %gather3A_207, %gather3A : vector<16xf32>
          %sub3A_217 = arith.subf %gather3A_211, %gather3A_79 : vector<16xf32>
          %sub3A_218 = arith.subf %gather3A_215, %gather3A_83 : vector<16xf32>
          %mul3A_219 = arith.mulf %sub3A_216, %sub3A_216 : vector<16xf32>
          %mul3A_220 = arith.mulf %sub3A_217, %sub3A_217 : vector<16xf32>
          %add3A_221 = arith.addf %mul3A_219, %mul3A_220 : vector<16xf32>
          %mul3A_222 = arith.mulf %sub3A_218, %sub3A_218 : vector<16xf32>
          %add3A_223 = arith.addf %add3A_221, %mul3A_222 : vector<16xf32>
          %mul3A_224 = arith.constant 64 : i32
          %mul3A_225 = arith.muli %scan3A_162, %mul3A_224 : i32
          %add3A_226 = arith.constant 32 : i32
          %add3A_227 = arith.addi %mul3A_225, %add3A_226 : i32
          %add3A_228 = vector.broadcast %add3A_227 : i32 to vector<16xi32>
          %add3A_229 = arith.addi %iota3A, %add3A_228 : vector<16xi32>
          %mul3A_230 = arith.constant 384 : i32
          %mul3A_231 = arith.muli %scan3A_162, %mul3A_230 : i32
          %add3A_232 = arith.constant 192 : i32
          %add3A_233 = arith.addi %mul3A_231, %add3A_232 : i32
          %add3A_234 = vector.broadcast %add3A_233 : i32 to vector<16xi32>
          %add3A_235 = arith.addi %mul3A_41, %add3A_234 : vector<16xi32>
          %gather3A_236 = tpu.vector_load_idx %arg4[%add3A_235] : memref<98304xf32, #tpu.memory_space<vmem>>[vector<16xi32>], vector<16xf32>,
          %add3A_237 = arith.constant 1 : i32
          %add3A_238 = vector.broadcast %add3A_237 : i32 to vector<16xi32>
          %add3A_239 = arith.addi %add3A_235, %add3A_238 : vector<16xi32>
          %gather3A_240 = tpu.vector_load_idx %arg4[%add3A_239] : memref<98304xf32, #tpu.memory_space<vmem>>[vector<16xi32>], vector<16xf32>,
          %add3A_241 = arith.constant 2 : i32
          %add3A_242 = vector.broadcast %add3A_241 : i32 to vector<16xi32>
          %add3A_243 = arith.addi %add3A_235, %add3A_242 : vector<16xi32>
          %gather3A_244 = tpu.vector_load_idx %arg4[%add3A_243] : memref<98304xf32, #tpu.memory_space<vmem>>[vector<16xi32>], vector<16xf32>,
          %sub3A_245 = arith.subf %gather3A_236, %gather3A : vector<16xf32>
          %sub3A_246 = arith.subf %gather3A_240, %gather3A_79 : vector<16xf32>
          %sub3A_247 = arith.subf %gather3A_244, %gather3A_83 : vector<16xf32>
          %mul3A_248 = arith.mulf %sub3A_245, %sub3A_245 : vector<16xf32>
          %mul3A_249 = arith.mulf %sub3A_246, %sub3A_246 : vector<16xf32>
          %add3A_250 = arith.addf %mul3A_248, %mul3A_249 : vector<16xf32>
          %mul3A_251 = arith.mulf %sub3A_247, %sub3A_247 : vector<16xf32>
          %add3A_252 = arith.addf %add3A_250, %mul3A_251 : vector<16xf32>
          %mul3A_253 = arith.constant 64 : i32
          %mul3A_254 = arith.muli %scan3A_162, %mul3A_253 : i32
          %add3A_255 = arith.constant 48 : i32
          %add3A_256 = arith.addi %mul3A_254, %add3A_255 : i32
          %add3A_257 = vector.broadcast %add3A_256 : i32 to vector<16xi32>
          %add3A_258 = arith.addi %iota3A, %add3A_257 : vector<16xi32>
          %mul3A_259 = arith.constant 384 : i32
          %mul3A_260 = arith.muli %scan3A_162, %mul3A_259 : i32
          %add3A_261 = arith.constant 288 : i32
          %add3A_262 = arith.addi %mul3A_260, %add3A_261 : i32
          %add3A_263 = vector.broadcast %add3A_262 : i32 to vector<16xi32>
          %add3A_264 = arith.addi %mul3A_41, %add3A_263 : vector<16xi32>
          %gather3A_265 = tpu.vector_load_idx %arg4[%add3A_264] : memref<98304xf32, #tpu.memory_space<vmem>>[vector<16xi32>], vector<16xf32>,
          %add3A_266 = arith.constant 1 : i32
          %add3A_267 = vector.broadcast %add3A_266 : i32 to vector<16xi32>
          %add3A_268 = arith.addi %add3A_264, %add3A_267 : vector<16xi32>
          %gather3A_269 = tpu.vector_load_idx %arg4[%add3A_268] : memref<98304xf32, #tpu.memory_space<vmem>>[vector<16xi32>], vector<16xf32>,
          %add3A_270 = arith.constant 2 : i32
          %add3A_271 = vector.broadcast %add3A_270 : i32 to vector<16xi32>
          %add3A_272 = arith.addi %add3A_264, %add3A_271 : vector<16xi32>
          %gather3A_273 = tpu.vector_load_idx %arg4[%add3A_272] : memref<98304xf32, #tpu.memory_space<vmem>>[vector<16xi32>], vector<16xf32>,
          %sub3A_274 = arith.subf %gather3A_265, %gather3A : vector<16xf32>
          %sub3A_275 = arith.subf %gather3A_269, %gather3A_79 : vector<16xf32>
          %sub3A_276 = arith.subf %gather3A_273, %gather3A_83 : vector<16xf32>
          %mul3A_277 = arith.mulf %sub3A_274, %sub3A_274 : vector<16xf32>
          %mul3A_278 = arith.mulf %sub3A_275, %sub3A_275 : vector<16xf32>
          %add3A_279 = arith.addf %mul3A_277, %mul3A_278 : vector<16xf32>
          %mul3A_280 = arith.mulf %sub3A_276, %sub3A_276 : vector<16xf32>
          %add3A_281 = arith.addf %add3A_279, %mul3A_280 : vector<16xf32>
          %broadcast_in_dim3A_282 = arith.constant false
          %broadcast_in_dim3A_283 = vector.broadcast %broadcast_in_dim3A_282 : i1 to vector<16xi1>
          %lt3A_284 = arith.cmpf olt, %add3A_194, %scan3A_165 : vector<16xf32>
          %or3A_285 = arith.ori %broadcast_in_dim3A_283, %lt3A_284 : vector<16xi1>
          %lt3A_286 = arith.cmpf olt, %add3A_223, %scan3A_165 : vector<16xf32>
          %or3A_287 = arith.ori %or3A_285, %lt3A_286 : vector<16xi1>
          %lt3A_288 = arith.cmpf olt, %add3A_252, %scan3A_165 : vector<16xf32>
          %or3A_289 = arith.ori %or3A_287, %lt3A_288 : vector<16xi1>
          %lt3A_290 = arith.cmpf olt, %add3A_281, %scan3A_165 : vector<16xf32>
          %or3A_291 = arith.ori %or3A_289, %lt3A_290 : vector<16xi1>
          %reduce_or3A = arith.constant 1.000000e+00 : f32
          %reduce_or3A_292 = arith.constant 0.000000e+00 : f32
          %reduce_or3A_293 = vector.broadcast %reduce_or3A : f32 to vector<16xf32>
          %reduce_or3A_294 = vector.broadcast %reduce_or3A_292 : f32 to vector<16xf32>
          %reduce_or3A_295 = arith.select %or3A_291, %reduce_or3A_293, %reduce_or3A_294 : vector<16xi1>, vector<16xf32>
          %reduce_or3A_296 = arith.constant true
          %reduce_or3A_297 = vector.broadcast %reduce_or3A_296 : i1 to vector<16xi1>
          %reduce_or3A_298 = tpu.scan <max>, %reduce_or3A_295 masked %reduce_or3A_297 : vector<16xf32>, vector<16xi1> -> vector<16xf32>
          %reduce_or3A_299 = vector.extract %reduce_or3A_298[15] : f32 from vector<16xf32>
          %reduce_or3A_300 = arith.constant 0.000000e+00 : f32
          %reduce_or3A_301 = arith.cmpf ogt, %reduce_or3A_299, %reduce_or3A_300 : f32
          %convert_element_type3A_302 = arith.extui %reduce_or3A_301 : i1 to i32
          %cond3A_303 = arith.constant 0 : i32
          %cond3A_304 = arith.cmpi ne, %convert_element_type3A_302, %cond3A_303 : i32
          %cond3A_305:3 = scf.if %cond3A_304 -> (vector<16xf32>, vector<16xi32>, vector<16xf32>) {
            %lt3A_306 = arith.cmpf olt, %add3A_194, %scan3A_165 : vector<16xf32>
            %reduce_or3A_307 = arith.constant 1.000000e+00 : f32
            %reduce_or3A_308 = arith.constant 0.000000e+00 : f32
            %reduce_or3A_309 = vector.broadcast %reduce_or3A_307 : f32 to vector<16xf32>
            %reduce_or3A_310 = vector.broadcast %reduce_or3A_308 : f32 to vector<16xf32>
            %reduce_or3A_311 = arith.select %lt3A_306, %reduce_or3A_309, %reduce_or3A_310 : vector<16xi1>, vector<16xf32>
            %reduce_or3A_312 = arith.constant true
            %reduce_or3A_313 = vector.broadcast %reduce_or3A_312 : i1 to vector<16xi1>
            %reduce_or3A_314 = tpu.scan <max>, %reduce_or3A_311 masked %reduce_or3A_313 : vector<16xf32>, vector<16xi1> -> vector<16xf32>
            %reduce_or3A_315 = vector.extract %reduce_or3A_314[15] : f32 from vector<16xf32>
            %reduce_or3A_316 = arith.constant 0.000000e+00 : f32
            %reduce_or3A_317 = arith.cmpf ogt, %reduce_or3A_315, %reduce_or3A_316 : f32
            %convert_element_type3A_318 = arith.extui %reduce_or3A_317 : i1 to i32
            %cond3A_319 = arith.constant 0 : i32
            %cond3A_320 = arith.cmpi ne, %convert_element_type3A_318, %cond3A_319 : i32
            %cond3A_321:3 = scf.if %cond3A_320 -> (vector<16xf32>, vector<16xi32>, vector<16xf32>) {
              %masked_sort3A = arith.constant dense<true> : vector<16xi1>
              %masked_sort3A_370, %masked_sort3A_371, %masked_sort3A_372 = tpu.sort %add3A_194, %add3A_171 masked %masked_sort3A : (vector<16xf32>, vector<16xi32>, vector<16xi1>) -> (vector<16xi1>, vector<16xf32>, vector<16xi32>)
              %rev3A = arith.constant 15 : i32
              %rev3A_373 = vector.broadcast %rev3A : i32 to vector<16xi32>
              %rev3A_374 = tpu.iota {dimensions = array<i32: 0>} : vector<16xi32>
              %rev3A_375 = arith.subi %rev3A_373, %rev3A_374 : vector<16xi32>
              %rev3A_376 = tpu.dynamic_gather %masked_sort3A_371[%rev3A_375] in [0] : vector<16xf32>, vector<16xi32> -> vector<16xf32>
              %rev3A_377 = arith.constant 15 : i32
              %rev3A_378 = vector.broadcast %rev3A_377 : i32 to vector<16xi32>
              %rev3A_379 = tpu.iota {dimensions = array<i32: 0>} : vector<16xi32>
              %rev3A_380 = arith.subi %rev3A_378, %rev3A_379 : vector<16xi32>
              %rev3A_381 = tpu.dynamic_gather %masked_sort3A_372[%rev3A_380] in [0] : vector<16xi32>, vector<16xi32> -> vector<16xi32>
              %lt3A_382 = arith.cmpf olt, %rev3A_376, %scan3A_163 : vector<16xf32>
              %select_n3A_383 = arith.select %lt3A_382, %rev3A_376, %scan3A_163 : vector<16xi1>, vector<16xf32>
              %select_n3A_384 = arith.select %lt3A_382, %rev3A_381, %scan3A_164 : vector<16xi1>, vector<16xi32>
              %masked_sort3A_385 = arith.constant dense<true> : vector<16xi1>
              %masked_sort3A_386, %masked_sort3A_387, %masked_sort3A_388 = tpu.sort %select_n3A_383, %select_n3A_384 masked %masked_sort3A_385 : (vector<16xf32>, vector<16xi32>, vector<16xi1>) -> (vector<16xi1>, vector<16xf32>, vector<16xi32>)
              %reduce_max3A_389 = arith.constant true
              %reduce_max3A_390 = vector.broadcast %reduce_max3A_389 : i1 to vector<16xi1>
              %reduce_max3A_391 = tpu.scan <max>, %masked_sort3A_387 masked %reduce_max3A_390 : vector<16xf32>, vector<16xi1> -> vector<16xf32>
              %reduce_max3A_392 = vector.extract %reduce_max3A_391[15] : f32 from vector<16xf32>
              %broadcast_in_dim3A_393 = vector.broadcast %reduce_max3A_392 : f32 to vector<16xf32>
              scf.yield %masked_sort3A_387, %masked_sort3A_388, %broadcast_in_dim3A_393 : vector<16xf32>, vector<16xi32>, vector<16xf32>
            } else {
              scf.yield %scan3A_163, %scan3A_164, %scan3A_165 : vector<16xf32>, vector<16xi32>, vector<16xf32>
            }
            %lt3A_322 = arith.cmpf olt, %add3A_223, %cond3A_321#2 : vector<16xf32>
            %reduce_or3A_323 = arith.constant 1.000000e+00 : f32
            %reduce_or3A_324 = arith.constant 0.000000e+00 : f32
            %reduce_or3A_325 = vector.broadcast %reduce_or3A_323 : f32 to vector<16xf32>
            %reduce_or3A_326 = vector.broadcast %reduce_or3A_324 : f32 to vector<16xf32>
            %reduce_or3A_327 = arith.select %lt3A_322, %reduce_or3A_325, %reduce_or3A_326 : vector<16xi1>, vector<16xf32>
            %reduce_or3A_328 = arith.constant true
            %reduce_or3A_329 = vector.broadcast %reduce_or3A_328 : i1 to vector<16xi1>
            %reduce_or3A_330 = tpu.scan <max>, %reduce_or3A_327 masked %reduce_or3A_329 : vector<16xf32>, vector<16xi1> -> vector<16xf32>
            %reduce_or3A_331 = vector.extract %reduce_or3A_330[15] : f32 from vector<16xf32>
            %reduce_or3A_332 = arith.constant 0.000000e+00 : f32
            %reduce_or3A_333 = arith.cmpf ogt, %reduce_or3A_331, %reduce_or3A_332 : f32
            %convert_element_type3A_334 = arith.extui %reduce_or3A_333 : i1 to i32
            %cond3A_335 = arith.constant 0 : i32
            %cond3A_336 = arith.cmpi ne, %convert_element_type3A_334, %cond3A_335 : i32
            %cond3A_337:3 = scf.if %cond3A_336 -> (vector<16xf32>, vector<16xi32>, vector<16xf32>) {
              %masked_sort3A = arith.constant dense<true> : vector<16xi1>
              %masked_sort3A_370, %masked_sort3A_371, %masked_sort3A_372 = tpu.sort %add3A_223, %add3A_200 masked %masked_sort3A : (vector<16xf32>, vector<16xi32>, vector<16xi1>) -> (vector<16xi1>, vector<16xf32>, vector<16xi32>)
              %rev3A = arith.constant 15 : i32
              %rev3A_373 = vector.broadcast %rev3A : i32 to vector<16xi32>
              %rev3A_374 = tpu.iota {dimensions = array<i32: 0>} : vector<16xi32>
              %rev3A_375 = arith.subi %rev3A_373, %rev3A_374 : vector<16xi32>
              %rev3A_376 = tpu.dynamic_gather %masked_sort3A_371[%rev3A_375] in [0] : vector<16xf32>, vector<16xi32> -> vector<16xf32>
              %rev3A_377 = arith.constant 15 : i32
              %rev3A_378 = vector.broadcast %rev3A_377 : i32 to vector<16xi32>
              %rev3A_379 = tpu.iota {dimensions = array<i32: 0>} : vector<16xi32>
              %rev3A_380 = arith.subi %rev3A_378, %rev3A_379 : vector<16xi32>
              %rev3A_381 = tpu.dynamic_gather %masked_sort3A_372[%rev3A_380] in [0] : vector<16xi32>, vector<16xi32> -> vector<16xi32>
              %lt3A_382 = arith.cmpf olt, %rev3A_376, %cond3A_321#0 : vector<16xf32>
              %select_n3A_383 = arith.select %lt3A_382, %rev3A_376, %cond3A_321#0 : vector<16xi1>, vector<16xf32>
              %select_n3A_384 = arith.select %lt3A_382, %rev3A_381, %cond3A_321#1 : vector<16xi1>, vector<16xi32>
              %masked_sort3A_385 = arith.constant dense<true> : vector<16xi1>
              %masked_sort3A_386, %masked_sort3A_387, %masked_sort3A_388 = tpu.sort %select_n3A_383, %select_n3A_384 masked %masked_sort3A_385 : (vector<16xf32>, vector<16xi32>, vector<16xi1>) -> (vector<16xi1>, vector<16xf32>, vector<16xi32>)
              %reduce_max3A_389 = arith.constant true
              %reduce_max3A_390 = vector.broadcast %reduce_max3A_389 : i1 to vector<16xi1>
              %reduce_max3A_391 = tpu.scan <max>, %masked_sort3A_387 masked %reduce_max3A_390 : vector<16xf32>, vector<16xi1> -> vector<16xf32>
              %reduce_max3A_392 = vector.extract %reduce_max3A_391[15] : f32 from vector<16xf32>
              %broadcast_in_dim3A_393 = vector.broadcast %reduce_max3A_392 : f32 to vector<16xf32>
              scf.yield %masked_sort3A_387, %masked_sort3A_388, %broadcast_in_dim3A_393 : vector<16xf32>, vector<16xi32>, vector<16xf32>
            } else {
              scf.yield %cond3A_321#0, %cond3A_321#1, %cond3A_321#2 : vector<16xf32>, vector<16xi32>, vector<16xf32>
            }
            %lt3A_338 = arith.cmpf olt, %add3A_252, %cond3A_337#2 : vector<16xf32>
            %reduce_or3A_339 = arith.constant 1.000000e+00 : f32
            %reduce_or3A_340 = arith.constant 0.000000e+00 : f32
            %reduce_or3A_341 = vector.broadcast %reduce_or3A_339 : f32 to vector<16xf32>
            %reduce_or3A_342 = vector.broadcast %reduce_or3A_340 : f32 to vector<16xf32>
            %reduce_or3A_343 = arith.select %lt3A_338, %reduce_or3A_341, %reduce_or3A_342 : vector<16xi1>, vector<16xf32>
            %reduce_or3A_344 = arith.constant true
            %reduce_or3A_345 = vector.broadcast %reduce_or3A_344 : i1 to vector<16xi1>
            %reduce_or3A_346 = tpu.scan <max>, %reduce_or3A_343 masked %reduce_or3A_345 : vector<16xf32>, vector<16xi1> -> vector<16xf32>
            %reduce_or3A_347 = vector.extract %reduce_or3A_346[15] : f32 from vector<16xf32>
            %reduce_or3A_348 = arith.constant 0.000000e+00 : f32
            %reduce_or3A_349 = arith.cmpf ogt, %reduce_or3A_347, %reduce_or3A_348 : f32
            %convert_element_type3A_350 = arith.extui %reduce_or3A_349 : i1 to i32
            %cond3A_351 = arith.constant 0 : i32
            %cond3A_352 = arith.cmpi ne, %convert_element_type3A_350, %cond3A_351 : i32
            %cond3A_353:3 = scf.if %cond3A_352 -> (vector<16xf32>, vector<16xi32>, vector<16xf32>) {
              %masked_sort3A = arith.constant dense<true> : vector<16xi1>
              %masked_sort3A_370, %masked_sort3A_371, %masked_sort3A_372 = tpu.sort %add3A_252, %add3A_229 masked %masked_sort3A : (vector<16xf32>, vector<16xi32>, vector<16xi1>) -> (vector<16xi1>, vector<16xf32>, vector<16xi32>)
              %rev3A = arith.constant 15 : i32
              %rev3A_373 = vector.broadcast %rev3A : i32 to vector<16xi32>
              %rev3A_374 = tpu.iota {dimensions = array<i32: 0>} : vector<16xi32>
              %rev3A_375 = arith.subi %rev3A_373, %rev3A_374 : vector<16xi32>
              %rev3A_376 = tpu.dynamic_gather %masked_sort3A_371[%rev3A_375] in [0] : vector<16xf32>, vector<16xi32> -> vector<16xf32>
              %rev3A_377 = arith.constant 15 : i32
              %rev3A_378 = vector.broadcast %rev3A_377 : i32 to vector<16xi32>
              %rev3A_379 = tpu.iota {dimensions = array<i32: 0>} : vector<16xi32>
              %rev3A_380 = arith.subi %rev3A_378, %rev3A_379 : vector<16xi32>
              %rev3A_381 = tpu.dynamic_gather %masked_sort3A_372[%rev3A_380] in [0] : vector<16xi32>, vector<16xi32> -> vector<16xi32>
              %lt3A_382 = arith.cmpf olt, %rev3A_376, %cond3A_337#0 : vector<16xf32>
              %select_n3A_383 = arith.select %lt3A_382, %rev3A_376, %cond3A_337#0 : vector<16xi1>, vector<16xf32>
              %select_n3A_384 = arith.select %lt3A_382, %rev3A_381, %cond3A_337#1 : vector<16xi1>, vector<16xi32>
              %masked_sort3A_385 = arith.constant dense<true> : vector<16xi1>
              %masked_sort3A_386, %masked_sort3A_387, %masked_sort3A_388 = tpu.sort %select_n3A_383, %select_n3A_384 masked %masked_sort3A_385 : (vector<16xf32>, vector<16xi32>, vector<16xi1>) -> (vector<16xi1>, vector<16xf32>, vector<16xi32>)
              %reduce_max3A_389 = arith.constant true
              %reduce_max3A_390 = vector.broadcast %reduce_max3A_389 : i1 to vector<16xi1>
              %reduce_max3A_391 = tpu.scan <max>, %masked_sort3A_387 masked %reduce_max3A_390 : vector<16xf32>, vector<16xi1> -> vector<16xf32>
              %reduce_max3A_392 = vector.extract %reduce_max3A_391[15] : f32 from vector<16xf32>
              %broadcast_in_dim3A_393 = vector.broadcast %reduce_max3A_392 : f32 to vector<16xf32>
              scf.yield %masked_sort3A_387, %masked_sort3A_388, %broadcast_in_dim3A_393 : vector<16xf32>, vector<16xi32>, vector<16xf32>
            } else {
              scf.yield %cond3A_337#0, %cond3A_337#1, %cond3A_337#2 : vector<16xf32>, vector<16xi32>, vector<16xf32>
            }
            %lt3A_354 = arith.cmpf olt, %add3A_281, %cond3A_353#2 : vector<16xf32>
            %reduce_or3A_355 = arith.constant 1.000000e+00 : f32
            %reduce_or3A_356 = arith.constant 0.000000e+00 : f32
            %reduce_or3A_357 = vector.broadcast %reduce_or3A_355 : f32 to vector<16xf32>
            %reduce_or3A_358 = vector.broadcast %reduce_or3A_356 : f32 to vector<16xf32>
            %reduce_or3A_359 = arith.select %lt3A_354, %reduce_or3A_357, %reduce_or3A_358 : vector<16xi1>, vector<16xf32>
            %reduce_or3A_360 = arith.constant true
            %reduce_or3A_361 = vector.broadcast %reduce_or3A_360 : i1 to vector<16xi1>
            %reduce_or3A_362 = tpu.scan <max>, %reduce_or3A_359 masked %reduce_or3A_361 : vector<16xf32>, vector<16xi1> -> vector<16xf32>
            %reduce_or3A_363 = vector.extract %reduce_or3A_362[15] : f32 from vector<16xf32>
            %reduce_or3A_364 = arith.constant 0.000000e+00 : f32
            %reduce_or3A_365 = arith.cmpf ogt, %reduce_or3A_363, %reduce_or3A_364 : f32
            %convert_element_type3A_366 = arith.extui %reduce_or3A_365 : i1 to i32
            %cond3A_367 = arith.constant 0 : i32
            %cond3A_368 = arith.cmpi ne, %convert_element_type3A_366, %cond3A_367 : i32
            %cond3A_369:3 = scf.if %cond3A_368 -> (vector<16xf32>, vector<16xi32>, vector<16xf32>) {
              %masked_sort3A = arith.constant dense<true> : vector<16xi1>
              %masked_sort3A_370, %masked_sort3A_371, %masked_sort3A_372 = tpu.sort %add3A_281, %add3A_258 masked %masked_sort3A : (vector<16xf32>, vector<16xi32>, vector<16xi1>) -> (vector<16xi1>, vector<16xf32>, vector<16xi32>)
              %rev3A = arith.constant 15 : i32
              %rev3A_373 = vector.broadcast %rev3A : i32 to vector<16xi32>
              %rev3A_374 = tpu.iota {dimensions = array<i32: 0>} : vector<16xi32>
              %rev3A_375 = arith.subi %rev3A_373, %rev3A_374 : vector<16xi32>
              %rev3A_376 = tpu.dynamic_gather %masked_sort3A_371[%rev3A_375] in [0] : vector<16xf32>, vector<16xi32> -> vector<16xf32>
              %rev3A_377 = arith.constant 15 : i32
              %rev3A_378 = vector.broadcast %rev3A_377 : i32 to vector<16xi32>
              %rev3A_379 = tpu.iota {dimensions = array<i32: 0>} : vector<16xi32>
              %rev3A_380 = arith.subi %rev3A_378, %rev3A_379 : vector<16xi32>
              %rev3A_381 = tpu.dynamic_gather %masked_sort3A_372[%rev3A_380] in [0] : vector<16xi32>, vector<16xi32> -> vector<16xi32>
              %lt3A_382 = arith.cmpf olt, %rev3A_376, %cond3A_353#0 : vector<16xf32>
              %select_n3A_383 = arith.select %lt3A_382, %rev3A_376, %cond3A_353#0 : vector<16xi1>, vector<16xf32>
              %select_n3A_384 = arith.select %lt3A_382, %rev3A_381, %cond3A_353#1 : vector<16xi1>, vector<16xi32>
              %masked_sort3A_385 = arith.constant dense<true> : vector<16xi1>
              %masked_sort3A_386, %masked_sort3A_387, %masked_sort3A_388 = tpu.sort %select_n3A_383, %select_n3A_384 masked %masked_sort3A_385 : (vector<16xf32>, vector<16xi32>, vector<16xi1>) -> (vector<16xi1>, vector<16xf32>, vector<16xi32>)
              %reduce_max3A_389 = arith.constant true
              %reduce_max3A_390 = vector.broadcast %reduce_max3A_389 : i1 to vector<16xi1>
              %reduce_max3A_391 = tpu.scan <max>, %masked_sort3A_387 masked %reduce_max3A_390 : vector<16xf32>, vector<16xi1> -> vector<16xf32>
              %reduce_max3A_392 = vector.extract %reduce_max3A_391[15] : f32 from vector<16xf32>
              %broadcast_in_dim3A_393 = vector.broadcast %reduce_max3A_392 : f32 to vector<16xf32>
              scf.yield %masked_sort3A_387, %masked_sort3A_388, %broadcast_in_dim3A_393 : vector<16xf32>, vector<16xi32>, vector<16xf32>
            } else {
              scf.yield %cond3A_353#0, %cond3A_353#1, %cond3A_353#2 : vector<16xf32>, vector<16xi32>, vector<16xf32>
            }
            scf.yield %cond3A_369#0, %cond3A_369#1, %cond3A_369#2 : vector<16xf32>, vector<16xi32>, vector<16xf32>
          } else {
            scf.yield %scan3A_163, %scan3A_164, %scan3A_165 : vector<16xf32>, vector<16xi32>, vector<16xf32>
          }
          scf.yield %cond3A_305#0, %cond3A_305#1, %cond3A_305#2 : vector<16xf32>, vector<16xi32>, vector<16xf32>
        }
        %scan3A_156 = arith.constant 256 : i32
        %sub3A_157 = arith.subi %scan3A_72, %mul3A_32 : i32
        %mul3A_158 = arith.constant 16 : i32
        %mul3A_159 = arith.muli %sub3A_157, %mul3A_158 : i32
        %add3A_160 = vector.broadcast %mul3A_159 : i32 to vector<16xi32>
        %add3A_161 = arith.addi %iota3A, %add3A_160 : vector<16xi32>
        tpu.vector_store_idx %arg6[%add3A_161], %scan3A_155#1 : memref<2048xi32, #tpu.memory_space<vmem>>[vector<16xi32>], vector<16xi32>,
      } else {
      }
      %reduce_max3A = arith.constant true
      %reduce_max3A_130 = vector.broadcast %reduce_max3A : i1 to vector<16xi1>
      %reduce_max3A_131 = tpu.scan <max>, %select_n3A_127 masked %reduce_max3A_130 : vector<16xf32>, vector<16xi1> -> vector<16xf32>
      %reduce_max3A_132 = vector.extract %reduce_max3A_131[15] : f32 from vector<16xf32>
      %broadcast_in_dim3A_133 = vector.broadcast %reduce_max3A_132 : f32 to vector<16xf32>
      %eq3A_134 = arith.cmpf oeq, %select_n3A_127, %broadcast_in_dim3A_133 : vector<16xf32>
      %broadcast_in_dim3A_135 = arith.constant 2147483647 : i32
      %broadcast_in_dim3A_136 = vector.broadcast %broadcast_in_dim3A_135 : i32 to vector<16xi32>
      %select_n3A_137 = arith.select %eq3A_134, %select_n3A_128, %broadcast_in_dim3A_136 : vector<16xi1>, vector<16xi32>
      %reduce_min3A = arith.constant true
      %reduce_min3A_138 = vector.broadcast %reduce_min3A : i1 to vector<16xi1>
      %reduce_min3A_139 = arith.constant -2147483648 : i32
      %reduce_min3A_140 = vector.broadcast %reduce_min3A_139 : i32 to vector<16xi32>
      %reduce_min3A_141 = arith.xori %select_n3A_137, %reduce_min3A_140 : vector<16xi32>
      %reduce_min3A_142 = tpu.scan <min>, %reduce_min3A_141 masked %reduce_min3A_138 : vector<16xi32>, vector<16xi1> -> vector<16xi32>
      %reduce_min3A_143 = arith.xori %reduce_min3A_142, %reduce_min3A_140 : vector<16xi32>
      %reduce_min3A_144 = vector.extract %reduce_min3A_143[15] : i32 from vector<16xi32>
      scf.yield %reduce_min3A_144 : i32
    }
    %scan3A_48 = arith.constant 512 : i32
    %mul3A_49 = arith.constant 49152 : i32
    %mul3A_50 = arith.muli %select_n3A, %mul3A_49 : i32
    %mul3A_51 = arith.constant 12288 : i32
    %mul3A_52 = arith.muli %select_n3A_30, %mul3A_51 : i32
    %add3A_53 = arith.addi %mul3A_50, %mul3A_52 : i32
    %scan3A_54 = arith.constant 0 : i32
    %scan3A_55 = arith.constant 0 : i32
    %scan3A_56 = arith.constant 64 : i32
    %scan3A_57 = arith.addi %scan3A_55, %scan3A_56 : i32
    %scan3A_58 = arith.constant 1 : i32
    %scan3A_59 = scf.for %scan3A_72 = %scan3A_55 to %scan3A_57 step %scan3A_58 iter_args(%scan3A_73 = %scan3A_54) -> (i32)  : i32 {
      %add3A_74 = arith.constant 0 : i32
      %add3A_75 = arith.addi %add3A_74, %scan3A_72 : i32
      %mul3A_76 = arith.constant 16 : i32
      %mul3A_77 = arith.muli %add3A_75, %mul3A_76 : i32
      %add3A_78 = vector.broadcast %mul3A_77 : i32 to vector<16xi32>
      %add3A_79 = arith.addi %iota3A, %add3A_78 : vector<16xi32>
      %gather3A = tpu.vector_load_idx %arg6[%add3A_79] : memref<2048xi32, #tpu.memory_space<vmem>>[vector<16xi32>], vector<16xi32>,
      %mul3A_80 = arith.constant 96 : i32
      %mul3A_81 = arith.muli %scan3A_72, %mul3A_80 : i32
      %mul3A_82 = arith.constant 6 : i32
      %mul3A_83 = vector.broadcast %mul3A_82 : i32 to vector<16xi32>
      %mul3A_84 = arith.muli %gather3A, %mul3A_83 : vector<16xi32>
      %add3A_85 = arith.constant 0 : i32
      %add3A_86 = vector.broadcast %add3A_85 : i32 to vector<16xi32>
      %add3A_87 = arith.addi %mul3A_84, %add3A_86 : vector<16xi32>
      %gather3A_88 = tpu.vector_load_idx %arg4[%add3A_87] : memref<98304xf32, #tpu.memory_space<vmem>>[vector<16xi32>], vector<16xf32>,
      %mul3A_89 = arith.constant 6 : i32
      %mul3A_90 = vector.broadcast %mul3A_89 : i32 to vector<16xi32>
      %mul3A_91 = arith.muli %iota3A, %mul3A_90 : vector<16xi32>
      %add3A_92 = arith.constant 0 : i32
      %add3A_93 = arith.addi %mul3A_81, %add3A_92 : i32
      %add3A_94 = vector.broadcast %add3A_93 : i32 to vector<16xi32>
      %add3A_95 = arith.addi %mul3A_91, %add3A_94 : vector<16xi32>
      tpu.vector_store_idx %arg7[%add3A_95], %gather3A_88 : memref<6144xf32, #tpu.memory_space<vmem>>[vector<16xi32>], vector<16xf32>,
      %add3A_96 = arith.constant 1 : i32
      %add3A_97 = vector.broadcast %add3A_96 : i32 to vector<16xi32>
      %add3A_98 = arith.addi %mul3A_84, %add3A_97 : vector<16xi32>
      %gather3A_99 = tpu.vector_load_idx %arg4[%add3A_98] : memref<98304xf32, #tpu.memory_space<vmem>>[vector<16xi32>], vector<16xf32>,
      %mul3A_100 = arith.constant 6 : i32
      %mul3A_101 = vector.broadcast %mul3A_100 : i32 to vector<16xi32>
      %mul3A_102 = arith.muli %iota3A, %mul3A_101 : vector<16xi32>
      %add3A_103 = arith.constant 1 : i32
      %add3A_104 = arith.addi %mul3A_81, %add3A_103 : i32
      %add3A_105 = vector.broadcast %add3A_104 : i32 to vector<16xi32>
      %add3A_106 = arith.addi %mul3A_102, %add3A_105 : vector<16xi32>
      tpu.vector_store_idx %arg7[%add3A_106], %gather3A_99 : memref<6144xf32, #tpu.memory_space<vmem>>[vector<16xi32>], vector<16xf32>,
      %add3A_107 = arith.constant 2 : i32
      %add3A_108 = vector.broadcast %add3A_107 : i32 to vector<16xi32>
      %add3A_109 = arith.addi %mul3A_84, %add3A_108 : vector<16xi32>
      %gather3A_110 = tpu.vector_load_idx %arg4[%add3A_109] : memref<98304xf32, #tpu.memory_space<vmem>>[vector<16xi32>], vector<16xf32>,
      %mul3A_111 = arith.constant 6 : i32
      %mul3A_112 = vector.broadcast %mul3A_111 : i32 to vector<16xi32>
      %mul3A_113 = arith.muli %iota3A, %mul3A_112 : vector<16xi32>
      %add3A_114 = arith.constant 2 : i32
      %add3A_115 = arith.addi %mul3A_81, %add3A_114 : i32
      %add3A_116 = vector.broadcast %add3A_115 : i32 to vector<16xi32>
      %add3A_117 = arith.addi %mul3A_113, %add3A_116 : vector<16xi32>
      tpu.vector_store_idx %arg7[%add3A_117], %gather3A_110 : memref<6144xf32, #tpu.memory_space<vmem>>[vector<16xi32>], vector<16xf32>,
      %add3A_118 = arith.constant 3 : i32
      %add3A_119 = vector.broadcast %add3A_118 : i32 to vector<16xi32>
      %add3A_120 = arith.addi %mul3A_84, %add3A_119 : vector<16xi32>
      %gather3A_121 = tpu.vector_load_idx %arg4[%add3A_120] : memref<98304xf32, #tpu.memory_space<vmem>>[vector<16xi32>], vector<16xf32>,
      %mul3A_122 = arith.constant 6 : i32
      %mul3A_123 = vector.broadcast %mul3A_122 : i32 to vector<16xi32>
      %mul3A_124 = arith.muli %iota3A, %mul3A_123 : vector<16xi32>
      %add3A_125 = arith.constant 3 : i32
      %add3A_126 = arith.addi %mul3A_81, %add3A_125 : i32
      %add3A_127 = vector.broadcast %add3A_126 : i32 to vector<16xi32>
      %add3A_128 = arith.addi %mul3A_124, %add3A_127 : vector<16xi32>
      tpu.vector_store_idx %arg7[%add3A_128], %gather3A_121 : memref<6144xf32, #tpu.memory_space<vmem>>[vector<16xi32>], vector<16xf32>,
      %add3A_129 = arith.constant 4 : i32
      %add3A_130 = vector.broadcast %add3A_129 : i32 to vector<16xi32>
      %add3A_131 = arith.addi %mul3A_84, %add3A_130 : vector<16xi32>
      %gather3A_132 = tpu.vector_load_idx %arg4[%add3A_131] : memref<98304xf32, #tpu.memory_space<vmem>>[vector<16xi32>], vector<16xf32>,
      %mul3A_133 = arith.constant 6 : i32
      %mul3A_134 = vector.broadcast %mul3A_133 : i32 to vector<16xi32>
      %mul3A_135 = arith.muli %iota3A, %mul3A_134 : vector<16xi32>
      %add3A_136 = arith.constant 4 : i32
      %add3A_137 = arith.addi %mul3A_81, %add3A_136 : i32
      %add3A_138 = vector.broadcast %add3A_137 : i32 to vector<16xi32>
      %add3A_139 = arith.addi %mul3A_135, %add3A_138 : vector<16xi32>
      tpu.vector_store_idx %arg7[%add3A_139], %gather3A_132 : memref<6144xf32, #tpu.memory_space<vmem>>[vector<16xi32>], vector<16xf32>,
      %add3A_140 = arith.constant 5 : i32
      %add3A_141 = vector.broadcast %add3A_140 : i32 to vector<16xi32>
      %add3A_142 = arith.addi %mul3A_84, %add3A_141 : vector<16xi32>
      %gather3A_143 = tpu.vector_load_idx %arg4[%add3A_142] : memref<98304xf32, #tpu.memory_space<vmem>>[vector<16xi32>], vector<16xf32>,
      %mul3A_144 = arith.constant 6 : i32
      %mul3A_145 = vector.broadcast %mul3A_144 : i32 to vector<16xi32>
      %mul3A_146 = arith.muli %iota3A, %mul3A_145 : vector<16xi32>
      %add3A_147 = arith.constant 5 : i32
      %add3A_148 = arith.addi %mul3A_81, %add3A_147 : i32
      %add3A_149 = vector.broadcast %add3A_148 : i32 to vector<16xi32>
      %add3A_150 = arith.addi %mul3A_146, %add3A_149 : vector<16xi32>
      tpu.vector_store_idx %arg7[%add3A_150], %gather3A_143 : memref<6144xf32, #tpu.memory_space<vmem>>[vector<16xi32>], vector<16xf32>,
      %scan3A_151 = arith.constant 0 : i32
      scf.yield %scan3A_151 : i32
    }
    %scan3A_60 = arith.constant 64 : i32
    %add3A_61 = arith.constant 0 : i32
    %add3A_62 = arith.addi %add3A_53, %add3A_61 : i32
    "tpu.region"() ({
      %run_scoped3A = tpu.sem_alloc : memref<!tpu.dma_semaphore, #tpu.memory_space<semaphore_mem>>
      %dma_start3A = tpu.memref_slice %arg3[%add3A_62] : memref<393216xf32, #tpu.memory_space<hbm>> -> memref<6144xf32, #tpu.memory_space<hbm>>
      %dma_start3A_72 = tpu.memref_slice %arg3[%add3A_62] : memref<393216xf32, #tpu.memory_space<hbm>> -> memref<6144xf32, #tpu.memory_space<hbm>>
      tpu.enqueue_dma source(%arg7 : memref<6144xf32, #tpu.memory_space<vmem>>) target(%dma_start3A_72 : memref<6144xf32, #tpu.memory_space<hbm>>) target_semaphore(%run_scoped3A : memref<!tpu.dma_semaphore, #tpu.memory_space<semaphore_mem>>)
      %dma_wait3A = tpu.memref_slice %arg3[%add3A_62] : memref<393216xf32, #tpu.memory_space<hbm>> -> memref<6144xf32, #tpu.memory_space<hbm>>
      %dma_wait3A_73 = tpu.memref_slice %arg3[%add3A_62] : memref<393216xf32, #tpu.memory_space<hbm>> -> memref<6144xf32, #tpu.memory_space<hbm>>
      tpu.wait_dma2 semaphore(%run_scoped3A : memref<!tpu.dma_semaphore, #tpu.memory_space<semaphore_mem>>) src(%arg7 : memref<6144xf32, #tpu.memory_space<vmem>>) dst(%dma_wait3A_73 : memref<6144xf32, #tpu.memory_space<hbm>>)
      tpu.yield
    }) : () -> ()
    %scan3A_63 = arith.constant 0 : i32
    %scan3A_64 = arith.constant 0 : i32
    %scan3A_65 = arith.constant 64 : i32
    %scan3A_66 = arith.addi %scan3A_64, %scan3A_65 : i32
    %scan3A_67 = arith.constant 1 : i32
    %scan3A_68 = scf.for %scan3A_72 = %scan3A_64 to %scan3A_66 step %scan3A_67 iter_args(%scan3A_73 = %scan3A_63) -> (i32)  : i32 {
      %add3A_74 = arith.constant 64 : i32
      %add3A_75 = arith.addi %add3A_74, %scan3A_72 : i32
      %mul3A_76 = arith.constant 16 : i32
      %mul3A_77 = arith.muli %add3A_75, %mul3A_76 : i32
      %add3A_78 = vector.broadcast %mul3A_77 : i32 to vector<16xi32>
      %add3A_79 = arith.addi %iota3A, %add3A_78 : vector<16xi32>
      %gather3A = tpu.vector_load_idx %arg6[%add3A_79] : memref<2048xi32, #tpu.memory_space<vmem>>[vector<16xi32>], vector<16xi32>,
      %mul3A_80 = arith.constant 96 : i32
      %mul3A_81 = arith.muli %scan3A_72, %mul3A_80 : i32
      %mul3A_82 = arith.constant 6 : i32
      %mul3A_83 = vector.broadcast %mul3A_82 : i32 to vector<16xi32>
      %mul3A_84 = arith.muli %gather3A, %mul3A_83 : vector<16xi32>
      %add3A_85 = arith.constant 0 : i32
      %add3A_86 = vector.broadcast %add3A_85 : i32 to vector<16xi32>
      %add3A_87 = arith.addi %mul3A_84, %add3A_86 : vector<16xi32>
      %gather3A_88 = tpu.vector_load_idx %arg4[%add3A_87] : memref<98304xf32, #tpu.memory_space<vmem>>[vector<16xi32>], vector<16xf32>,
      %mul3A_89 = arith.constant 6 : i32
      %mul3A_90 = vector.broadcast %mul3A_89 : i32 to vector<16xi32>
      %mul3A_91 = arith.muli %iota3A, %mul3A_90 : vector<16xi32>
      %add3A_92 = arith.constant 0 : i32
      %add3A_93 = arith.addi %mul3A_81, %add3A_92 : i32
      %add3A_94 = vector.broadcast %add3A_93 : i32 to vector<16xi32>
      %add3A_95 = arith.addi %mul3A_91, %add3A_94 : vector<16xi32>
      tpu.vector_store_idx %arg7[%add3A_95], %gather3A_88 : memref<6144xf32, #tpu.memory_space<vmem>>[vector<16xi32>], vector<16xf32>,
      %add3A_96 = arith.constant 1 : i32
      %add3A_97 = vector.broadcast %add3A_96 : i32 to vector<16xi32>
      %add3A_98 = arith.addi %mul3A_84, %add3A_97 : vector<16xi32>
      %gather3A_99 = tpu.vector_load_idx %arg4[%add3A_98] : memref<98304xf32, #tpu.memory_space<vmem>>[vector<16xi32>], vector<16xf32>,
      %mul3A_100 = arith.constant 6 : i32
      %mul3A_101 = vector.broadcast %mul3A_100 : i32 to vector<16xi32>
      %mul3A_102 = arith.muli %iota3A, %mul3A_101 : vector<16xi32>
      %add3A_103 = arith.constant 1 : i32
      %add3A_104 = arith.addi %mul3A_81, %add3A_103 : i32
      %add3A_105 = vector.broadcast %add3A_104 : i32 to vector<16xi32>
      %add3A_106 = arith.addi %mul3A_102, %add3A_105 : vector<16xi32>
      tpu.vector_store_idx %arg7[%add3A_106], %gather3A_99 : memref<6144xf32, #tpu.memory_space<vmem>>[vector<16xi32>], vector<16xf32>,
      %add3A_107 = arith.constant 2 : i32
      %add3A_108 = vector.broadcast %add3A_107 : i32 to vector<16xi32>
      %add3A_109 = arith.addi %mul3A_84, %add3A_108 : vector<16xi32>
      %gather3A_110 = tpu.vector_load_idx %arg4[%add3A_109] : memref<98304xf32, #tpu.memory_space<vmem>>[vector<16xi32>], vector<16xf32>,
      %mul3A_111 = arith.constant 6 : i32
      %mul3A_112 = vector.broadcast %mul3A_111 : i32 to vector<16xi32>
      %mul3A_113 = arith.muli %iota3A, %mul3A_112 : vector<16xi32>
      %add3A_114 = arith.constant 2 : i32
      %add3A_115 = arith.addi %mul3A_81, %add3A_114 : i32
      %add3A_116 = vector.broadcast %add3A_115 : i32 to vector<16xi32>
      %add3A_117 = arith.addi %mul3A_113, %add3A_116 : vector<16xi32>
      tpu.vector_store_idx %arg7[%add3A_117], %gather3A_110 : memref<6144xf32, #tpu.memory_space<vmem>>[vector<16xi32>], vector<16xf32>,
      %add3A_118 = arith.constant 3 : i32
      %add3A_119 = vector.broadcast %add3A_118 : i32 to vector<16xi32>
      %add3A_120 = arith.addi %mul3A_84, %add3A_119 : vector<16xi32>
      %gather3A_121 = tpu.vector_load_idx %arg4[%add3A_120] : memref<98304xf32, #tpu.memory_space<vmem>>[vector<16xi32>], vector<16xf32>,
      %mul3A_122 = arith.constant 6 : i32
      %mul3A_123 = vector.broadcast %mul3A_122 : i32 to vector<16xi32>
      %mul3A_124 = arith.muli %iota3A, %mul3A_123 : vector<16xi32>
      %add3A_125 = arith.constant 3 : i32
      %add3A_126 = arith.addi %mul3A_81, %add3A_125 : i32
      %add3A_127 = vector.broadcast %add3A_126 : i32 to vector<16xi32>
      %add3A_128 = arith.addi %mul3A_124, %add3A_127 : vector<16xi32>
      tpu.vector_store_idx %arg7[%add3A_128], %gather3A_121 : memref<6144xf32, #tpu.memory_space<vmem>>[vector<16xi32>], vector<16xf32>,
      %add3A_129 = arith.constant 4 : i32
      %add3A_130 = vector.broadcast %add3A_129 : i32 to vector<16xi32>
      %add3A_131 = arith.addi %mul3A_84, %add3A_130 : vector<16xi32>
      %gather3A_132 = tpu.vector_load_idx %arg4[%add3A_131] : memref<98304xf32, #tpu.memory_space<vmem>>[vector<16xi32>], vector<16xf32>,
      %mul3A_133 = arith.constant 6 : i32
      %mul3A_134 = vector.broadcast %mul3A_133 : i32 to vector<16xi32>
      %mul3A_135 = arith.muli %iota3A, %mul3A_134 : vector<16xi32>
      %add3A_136 = arith.constant 4 : i32
      %add3A_137 = arith.addi %mul3A_81, %add3A_136 : i32
      %add3A_138 = vector.broadcast %add3A_137 : i32 to vector<16xi32>
      %add3A_139 = arith.addi %mul3A_135, %add3A_138 : vector<16xi32>
      tpu.vector_store_idx %arg7[%add3A_139], %gather3A_132 : memref<6144xf32, #tpu.memory_space<vmem>>[vector<16xi32>], vector<16xf32>,
      %add3A_140 = arith.constant 5 : i32
      %add3A_141 = vector.broadcast %add3A_140 : i32 to vector<16xi32>
      %add3A_142 = arith.addi %mul3A_84, %add3A_141 : vector<16xi32>
      %gather3A_143 = tpu.vector_load_idx %arg4[%add3A_142] : memref<98304xf32, #tpu.memory_space<vmem>>[vector<16xi32>], vector<16xf32>,
      %mul3A_144 = arith.constant 6 : i32
      %mul3A_145 = vector.broadcast %mul3A_144 : i32 to vector<16xi32>
      %mul3A_146 = arith.muli %iota3A, %mul3A_145 : vector<16xi32>
      %add3A_147 = arith.constant 5 : i32
      %add3A_148 = arith.addi %mul3A_81, %add3A_147 : i32
      %add3A_149 = vector.broadcast %add3A_148 : i32 to vector<16xi32>
      %add3A_150 = arith.addi %mul3A_146, %add3A_149 : vector<16xi32>
      tpu.vector_store_idx %arg7[%add3A_150], %gather3A_143 : memref<6144xf32, #tpu.memory_space<vmem>>[vector<16xi32>], vector<16xf32>,
      %scan3A_151 = arith.constant 0 : i32
      scf.yield %scan3A_151 : i32
    }
    %scan3A_69 = arith.constant 64 : i32
    %add3A_70 = arith.constant 6144 : i32
    %add3A_71 = arith.addi %add3A_53, %add3A_70 : i32
    "tpu.region"() ({
      %run_scoped3A = tpu.sem_alloc : memref<!tpu.dma_semaphore, #tpu.memory_space<semaphore_mem>>
      %dma_start3A = tpu.memref_slice %arg3[%add3A_71] : memref<393216xf32, #tpu.memory_space<hbm>> -> memref<6144xf32, #tpu.memory_space<hbm>>
      %dma_start3A_72 = tpu.memref_slice %arg3[%add3A_71] : memref<393216xf32, #tpu.memory_space<hbm>> -> memref<6144xf32, #tpu.memory_space<hbm>>
      tpu.enqueue_dma source(%arg7 : memref<6144xf32, #tpu.memory_space<vmem>>) target(%dma_start3A_72 : memref<6144xf32, #tpu.memory_space<hbm>>) target_semaphore(%run_scoped3A : memref<!tpu.dma_semaphore, #tpu.memory_space<semaphore_mem>>)
      %dma_wait3A = tpu.memref_slice %arg3[%add3A_71] : memref<393216xf32, #tpu.memory_space<hbm>> -> memref<6144xf32, #tpu.memory_space<hbm>>
      %dma_wait3A_73 = tpu.memref_slice %arg3[%add3A_71] : memref<393216xf32, #tpu.memory_space<hbm>> -> memref<6144xf32, #tpu.memory_space<hbm>>
      tpu.wait_dma2 semaphore(%run_scoped3A : memref<!tpu.dma_semaphore, #tpu.memory_space<semaphore_mem>>) src(%arg7 : memref<6144xf32, #tpu.memory_space<vmem>>) dst(%dma_wait3A_73 : memref<6144xf32, #tpu.memory_space<hbm>>)
      tpu.yield
    }) : () -> ()
    return
  }
}

</mosaic_0001>

<sc_bundles>
// kernel: kernel.3.cloned.1.call-start
scs
__scs_entry_jumppad:
0x0: {  	(pc) =	sbr.rel $0x88, $3  }
0x1: {  	(tag) =	ssettag $0x0;
	lr =	simm.s32 $0x1  }
0x2: {  	[smem:$0x3FA0] =	sst lr;
	_ =	strace $0xD0000000  }
0x3: {  	_ = 	snop  }
0x4: {  	_ = 	snop  }
0x5: {  	_ = 	snop  }
0x6: {  	_ = 	snop  }
0x7: {  	_ = 	snop  }
__scs_overlays_trampoline_lowered:
0x8: {  	[smem:$0x3FAF] =	sst s0  }
0x9: {  	[smem:$0x3FB0] =	sst s1  }
0xa: {  	[smem:$0x3FB1] =	sst s2  }
0xb: {  	[smem:$0x3FB2] =	sst s3  }
0xc: {  	[smem:$0x3FB3] =	sst s4  }
0xd: {  	[smem:$0x3FB4] =	sst s5  }
0xe: {  	[smem:$0x3FB5] =	sst s6  }
0xf: {  	[smem:$0x3FB6] =	sst s7  }
0x10: {  	[smem:$0x3FB7] =	sst s8  }
0x11: {  	[smem:$0x3FB8] =	sst s9;
	s0 =	simm.s32 @!p0 $0x0  }
0x12: {  	s1 =	sld [smem:$0x3F9E];
	s0 =	simm.s32 @p0 $0x1  }
0x13: {  	[smem:$0x3FB9] =	sst s0;
	s0 =	simm.s32 @!p1 $0x0  }
0x14: {  	s2 =	sld [smem:$0x3F9D];
	s0 =	simm.s32 @p1 $0x1  }
0x15: {  	[smem:$0x3FBA] =	sst s0;
	s0 =	simm.s32 @!p2 $0x0  }
0x16: {  	s3 =	sld [smem:$0x3FDB];
	s0 =	simm.s32 @p2 $0x1  }
0x17: {  	s4 =	simm.s32 $0x1BF5;
	[smem:$0x3FBC] =	sst s0  }
0x18: {  	s0 =	sld [smem:$0x3F9F];
	_ =	swait.ge [sflag:s4], $0x0  }
0x19: {  	s7 =	sld [smem:$0x3FA0]  }
0x1a: {  	s8 =	sadd.s32 $0xFFFFE003, lr  }
0x1b: {  	s9 =	sadd.s32 $0xFFFFFEF7, lr;
	s5 =	simm.s32 $0xFFFFFFFF;
	p2 =	slt.u32 s8, $0xFFFFF086  }
0x1c: {  	p1 =	slt.u32 s9, $0xF7A;
	s5 =	simm.s32 @!p2 $0x0  }
0x1d: {  	s5 =	simm.s32 @p1 $0x1;
	p0 =	seq.s32 s7, s2  }
0x1e: {  	s7 =	smul.u32 @!p0 $0xF7A, s2;
	p2 =	seq.s32 @!p0 s5, $0x0  }
0x1f: {  	s9 =	smul.u32 $0xF7A, s1;
	s8 =	simm.s32 @!p0 $0x1BF5;
	p2 =	por !p2, p0  }
0x20: {  	[sflag:s8] =	ssyncset.s32 @!p0 $0xFFFFF086;
	s6 =	sadd.s32 @!p0 s3, s7;
	s7 =	simm.s32 @!p0 $0x108  }
0x21: {  	s3 =	sadd.s32 s3, s9;
	s6 =	sadd.s32 @!p0 $0x88, s6;
	s7 =	simm.s32 @p2 $0x1082  }
0x22: {  	[simem:s7], [sflag:s8] =	dma.local @!p0 [hbm:s6], $0xF7A  }
0x23: {  	s9 =	sor.u32 $0xD0000000, s2;
	s6 =	simm.s32 $0x108;
	_ =	swait.ge @!p0 [sflag:s8], $0x0  }
0x24: {  	s3 =	sadd.s32 $0x88, s3;
	s6 =	simm.s32 @!p1 $0x1082;
	[sflag:s4] =	ssyncset.s32 $0xFFFFF086  }
0x25: {  	[simem:s6], [sflag:s4] =	dma.local [hbm:s3], $0xF7A  }
0x26: {  	[smem:$0x3FA0] =	sst s1;
	(tag) =	ssettag s2;
	_ =	strace s9  }
0x27: {  	s1 =	sld [smem:$0x3FB0]  }
0x28: {  	s2 =	sld [smem:$0x3FB1]  }
0x29: {  	s4 =	sld [smem:$0x3FB3]  }
0x2a: {  	p0 =	seq.s32 s5, $0x0;
	s5 =	sld [smem:$0x3FB4]  }
0x2b: {  	s6 =	sld [smem:$0x3FB5]  }
0x2c: {  	s7 =	sld [smem:$0x3FB6]  }
0x2d: {  	s3 =	simm.s32 $0x108;
	s8 =	sld [smem:$0x3FB7]  }
0x2e: {  	s3 =	simm.s32 @!p0 $0x1082;
	s9 =	sld [smem:$0x3FB8]  }
0x2f: {  	lr =	sadd.s32 s0, s3;
	s0 =	sld [smem:$0x3FAF]  }
0x30: {  	s3 =	sld [smem:$0x3FB2]  }
0x31: {  	[smem:$0x3FBB] =	sst s10  }
0x32: {  	s10 =	sld [smem:$0x3FB9];
	_ =	sdelay $0x3  }
0x33: {  	p0 =	seq.s32 s10, $0x1;
	s10 =	sld [smem:$0x3FBB];
	_ =	sdelay $0x3  }
0x34: {  	[smem:$0x3FBB] =	sst s10  }
0x35: {  	s10 =	sld [smem:$0x3FBA];
	_ =	sdelay $0x3  }
0x36: {  	p1 =	seq.s32 s10, $0x1;
	s10 =	sld [smem:$0x3FBB];
	_ =	sdelay $0x3  }
0x37: {  	[smem:$0x3FBB] =	sst s10  }
0x38: {  	s10 =	sld [smem:$0x3FBC]  }
0x39: {  	_ = 	snop;
	(pc) =	sbr.ind lr, $3  }
0x3a: {  	_ = 	snop  }
0x3b: {  	_ = 	snop  }
0x3c: {  	p2 =	seq.s32 s10, $0x1;
	s10 =	sld [smem:$0x3FBB]  }
0x3d: {  	_ =	shalt  }
0x3e: {  	_ =	shalt  }
0x3f: {  	_ =	shalt  }
0x40: {  	_ =	shalt  }
0x41: {  	_ =	shalt  }
0x42: {  	_ =	shalt  }
0x43: {  	_ =	shalt  }
0x44: {  	_ =	shalt  }
0x45: {  	_ =	shalt  }
0x46: {  	_ =	shalt  }
0x47: {  	_ =	shalt  }
0x48: {  	_ =	shalt  }
0x49: {  	_ =	shalt  }
0x4a: {  	_ =	shalt  }
0x4b: {  	_ =	shalt  }
0x4c: {  	_ =	shalt  }
0x4d: {  	_ =	shalt  }
0x4e: {  	_ =	shalt  }
0x4f: {  	_ =	shalt  }
0x50: {  	_ =	shalt  }
0x51: {  	_ =	shalt  }
0x52: {  	_ =	shalt  }
0x53: {  	_ =	shalt  }
0x54: {  	_ =	shalt  }
0x55: {  	_ =	shalt  }
0x56: {  	_ =	shalt  }
0x57: {  	_ =	shalt  }
0x58: {  	_ =	shalt  }
0x59: {  	_ =	shalt  }
0x5a: {  	_ =	shalt  }
0x5b: {  	_ =	shalt  }
0x5c: {  	_ =	shalt  }
0x5d: {  	_ =	shalt  }
0x5e: {  	_ =	shalt  }
0x5f: {  	_ =	shalt  }
0x60: {  	_ =	shalt  }
0x61: {  	_ =	shalt  }
0x62: {  	_ =	shalt  }
0x63: {  	_ =	shalt  }
0x64: {  	_ =	shalt  }
0x65: {  	_ =	shalt  }
0x66: {  	_ =	shalt  }
0x67: {  	_ =	shalt  }
0x68: {  	_ =	shalt  }
0x69: {  	_ =	shalt  }
0x6a: {  	_ =	shalt  }
0x6b: {  	_ =	shalt  }
0x6c: {  	_ =	shalt  }
0x6d: {  	_ =	shalt  }
0x6e: {  	_ =	shalt  }
0x6f: {  	_ =	shalt  }
0x70: {  	_ =	shalt  }
0x71: {  	_ =	shalt  }
0x72: {  	_ =	shalt  }
0x73: {  	_ =	shalt  }
0x74: {  	_ =	shalt  }
0x75: {  	_ =	shalt  }
0x76: {  	_ =	shalt  }
0x77: {  	_ =	shalt  }
0x78: {  	_ =	shalt  }
0x79: {  	_ =	shalt  }
0x7a: {  	_ =	shalt  }
0x7b: {  	_ =	shalt  }
0x7c: {  	_ =	shalt  }
0x7d: {  	_ =	shalt  }
0x7e: {  	_ =	shalt  }
0x7f: {  	_ =	shalt  }
0x80: {  	_ =	shalt  }
0x81: {  	_ =	shalt  }
0x82: {  	_ =	shalt  }
0x83: {  	_ =	shalt  }
0x84: {  	_ =	shalt  }
0x85: {  	_ =	shalt  }
0x86: {  	_ =	shalt  }
0x87: {  	_ =	shalt  }
.Lfunc_end0:
.L_simem_size_0:
called_computation_lowered:
.L_overlay_start_0:
0x88: {  	s2 =	sld [smem:$0x3FD9]  }
0x89: {  	s3 =	sld [smem:$0x3FFE];
	_ =	sdelay $0x1  }
0x8a: {  	s1 =	srdreg.scid  }
0x8b: {  	s0 =	sand.u32 $0x1, s1  }
0x8c: {  	s17 =	sshll.u32 s0, $0xA;
	s2 =	sadd.s32 s3, s2  }
0x8d: {  	s2 =	sadd.s32 s2, s17  }
0x8e: {  	[smem:$0x3FC7] =	sst s2  }
0x8f: {  	_ = 	snop  }
0x90: {  	s2 =	sld [smem:$0x3FD0];
	(tm) =	ssettm $0x1  }
0x91: {  	s18 =	sld [smem:$0x3FFB];
	_ =	sdelay $0x3  }
0x92: {  	_ =	strace s18  }
0x93: {  	s3 =	sld [smem:$0x3FFC];
	_ =	sdelay $0x3  }
0x94: {  	_ =	strace s3  }
0x95: {  	s3 =	sld [smem:$0x3FFD];
	_ =	sdelay $0x3  }
0x96: {  	_ =	strace s3  }
0x97: {  	_ =	strace $0x8FFFFFFF  }
0x98: {  	s19 =	sld [smem:$0x3FDB];
	_ =	sdelay $0x1  }
0x99: {  	s4 =	simm.s32 $_scs_section_size  }
0x9a: {  	s5 =	simm.s32 $_size__tile_overlayer_lowered;
	s6 =	simm.s32 $_tile_overlayer_lowered  }
0x9b: {  	s22 =	simm.s32 $0x1BFF;
	s21 =	sshll.u32 s6, $0x1;
	s3 =	sadd.s32 s4, s19  }
0x9c: {  	s7 =	simm.s32 $0x0;
	s20 =	sshll.u32 s5, $0x1;
	s5 =	sadd.s32 s21, s3  }
0x9d: {  	[timem:s7], [sflag:s22] =	dma.local [hbm:s5], s20  }
0x9e: {  	_ =	swait.ge [sflag:s22], s20  }
0x9f: {  	s4 =	ssub.s32 $0x0, s20;
	[sflag:s22] =	ssyncset.done $0x0  }
0xa0: {  	[sflag:s22] =	ssyncadd.s32 s4;
	_ =	sdelay $0x1  }
0xa1: {  	s23 =	simm.s32 $0x1B8B  }
0xa2: {  	_ =	swait.ge [sflag:s23], $0x1  }
0xa3: {  	[sflag:s23] =	ssyncset.done $0x0  }
0xa4: {  	s25 =	simm.s32 $0x1B8E;
	s24 =	sld [smem:$0x3FFE];
	[sflag:s23] =	ssyncadd.s32 $0xFFFFFFFF  }
0xa5: {  	s26 =	simm.s32 $execute0_lowered;
	[smem:$0x3FD2] =	sst s25  }
0xa6: {  	s5 =	sshll.u32 s26, $0x1;
	_ =	strace $0x80000046;
	[dreg:$0x1] =	wrdreg $0xFFFFFFFF  }
0xa7: {  	s28 =	simm.s32 $_size_execute0_lowered;
	s3 =	sadd.s32 s3, s5;
	[dreg:$0x0] =	wrdreg $0x0  }
0xa8: {  	s5 =	sshll.u32 s28, $0x1;
	[dreg:$0x2] =	wrdreg s3  }
0xa9: {  	[dreg:$0x3] =	wrdreg s5  }
0xaa: {  	[dreg:$0x4] =	wrdreg $0xC0  }
0xab: {  	_ =	task [dreg:s7], $0x5FFFF  }
0xac: {  	[dreg:$0x1] =	wrdreg $0xFFFFFFFF  }
0xad: {  	[dreg:$0x0] =	wrdreg $0x60  }
0xae: {  	[dreg:$0x2] =	wrdreg s24  }
0xaf: {  	[dreg:$0x3] =	wrdreg s2  }
0xb0: {  	[dreg:$0x4] =	wrdreg $0x9  }
0xb1: {  	_ =	task.clear_ibuf [dreg:s7], $0x5FFFF;
	_ =	strace $0x90000046  }
0xb2: {  	s29 =	simm.s32 $0x9;
	_ =	strace $0x80000048  }
0xb3: {  	_ =	swait.ge [sflag:s29], $0x1  }
0xb4: {  	[sflag:s29] =	ssyncadd.s32 $0xFFFFFFFF  }
0xb5: {  	_ =	strace $0x90000048  }
0xb6: {  	_ =	sfence  }
0xb7: {  	s30 =	sld [smem:$0x0];
	_ =	sdelay $0x2  }
0xb8: {  	s31 =	sshll.u32 s1, $0xD;
	s1 =	sshrl.u32 s1, $0x2  }
0xb9: {  	s3 =	sand.u32 $0x4000, s31;
	s1 =	sadd.s32 s1, s30  }
0xba: {  	s0 =	sor.u32 s3, s0;
	s1 =	sshll.u32 s1, $0x11  }
0xbb: {  	s0 =	sor.u32 s1, s0  }
0xbc: {  	s0 =	sadd.s32 $0x8F2B, s0  }
0xbd: {  	[sflag:s0] =	ssyncadd.remote.s32 $0x1  }
0xbe: {  	_ =	sfence.sel $0xFFFF  }
0xbf: {  	[dreg:$0x0] =	wrdreg $0xFFFFFFFF;
	(pc) =	sbr.abs _section_cstart, $3  }
0xc0: {  	[dreg:$0x1] =	wrdreg $0xFFFFFFFF  }
0xc1: {  	_ =	task.clear_ibuf [dreg:s7], $0x2FFFF;
	_ =	strace $0x9FFFFFFF  }
0xc2: {  	(tm) =	ssettm $0x7FFFFFFF  }
0xc3: {  	_ =	shalt  }
tec
execute0_lowered:
.L_overlay_start_1:
0x0: {  	(tag) =	ssettag $0x1  }
0x1: {  	s3 =	rddreg [dreg:$0x0]  }
0x2: {  	s6 =	rddreg [dreg:$0x1];
	s1 =	stileid.u32  }
0x3: {  	s0 =	rddreg [dreg:$0x2];
	s2 =	srdreg.scid  }
0x4: {  	s10 =	simm.s32 $0x400;
	s11 =	simm.s32 $0x1;
	s12 =	simm.s32 $0x18000  }
0x5: {  	s13 =	simm.s32 $0x1C000;
	s14 =	simm.s32 $0x1C800;
	s4 =	sshll.u32 s1, $0x1  }
0x6: {  	s5 =	sshrl.u32 s1, $0x1;
	s7 =	sand.u32 $0x1, s2;
	s4 =	sand.u32 $0x2, s4  }
0x7: {  	s2 =	simm.s32 $0x0;
	s8 =	smul.u32 $0xC000, s5;
	s4 =	sor.u32 s7, s4  }
0x8: {  	s15 =	simm.s32 $0x0;
	[smem:$0x7FF] =	sst s2;
	s9 =	smul.u32 $0x3000, s4  }
0x9: {  	s5 =	sshll.u32 s5, $0x4;
	_ =	strace $0x80000047;
	s7 =	ssub.s32 $0x2, s7  }
0xa: {  	v0 =	vlaneseq.u32;
	s5 =	sadd.s32 s5, s3;
	s29 =	sshrl.u32 s7, $0x1;
	s8 =	sadd.s32 s8, s9  }
0xb: {  	v1 =	vmul.u32 $0x6, v0;
	s3 =	sshll.u32 s4, $0x7;
	s4 =	sadd.s32 $0x200400, s5;
	s31 =	sshrl.u32 s8, $0x3  }
0xc: {  	v2 =	vimm.f32 $1.000000000e+10;
	s30 =	ssub.s32 s7, s29;
	s5 =	sadd.s32 $0x80, s3;
	s6 =	sadd.s32 s6, s31  }
0xd: {  	v5 =	vimm.f32 $0.0e+00;
	v3 =	vor.u32 $0x1, v1;
	v4 =	vadd.s32 $0x2, v1;
	s9 =	simm.s32 $0x80;
	s8 =	smax.u32 s30, $0x1;
	s7 =	sadd.s32 $0x300, s6  }
.LBB2_1:
0xe: {  	[tilespmem:s2], [sflag:$0x1] =	stream.strided.gather [hbm4b:s4+s9], $0x18000, s10, s9, $0x38;
	[tilespmem:$0x1E000] =	vst v63  }
0xf: {  	_ =	swait.ge [sflag:s11], $0x18000  }
0x10: {  	[sflag:s11] =	ssyncset.done $0x0  }
0x11: {  	s16 =	simm.s32 $0x0;
	[sflag:s11] =	ssyncadd.s32 $0xFFFE8000  }
.LBB2_2:
0x12: {  	v6 =	vor.u32 s16, v0;
	p0 =	sne.s32 s16, $0x3FF0  }
.Ltmp0:
0x13: {  	_ = 	snop;
	(pc) =	sbr.rel @p0 .LBB2_2-.Ltmp0, $2  }
0x14: {  	_ =	sdelay $0x2  }
0x15: {  	s16 =	sadd.s32 $0x10, s16;
	[tilespmem:v6+s12+$0x0] =	vst.idx.msk $0xffff, v2  }
.Ltmp1:
0x16: {  	(pc) =	sbr.rel .LBB2_4-.Ltmp1, $2  }
0x17: {  	_ =	sdelay $0x2  }
0x18: {  	s17 =	simm.s32 $0x0;
	s16 =	simm.s32 $0x0  }
.LBB2_11:
0x19: {  	s17 =	ssub.s32 s16, s3  }
0x1a: {  	s17 =	sshll.u32 s17, $0x4  }
0x1b: {  	v6 =	vor.u32 s17, v0;
	_ =	sdelay $0x4  }
0x1c: {  	[tilespmem:v6+s13+$0x0] =	vst.idx.msk $0xffff, v15  }
.LBB2_12:
0x1d: {  	vm0 =	veq.f32 v17, v11;
	vm1 =	vlt.s32 v18, v12  }
0x1e: {  	vm2 =	vgt.f32 v17, v11;
	vm0 =	vmand vm0, vm1  }
0x1f: {  	vm0 =	vmor vm2, vm0  }
0x20: {  	v6 =	vsel vm0, v17, v11;
	v7 =	vsel vm0, v18, v12  }
0x21: {  	vm9 =	veq.f32 v13, v6;
	vm10 =	vlt.s32 v14, v7  }
0x22: {  	vm11 =	vgt.f32 v13, v6;
	vm0 =	vmand vm9, vm10  }
0x23: {  	vm0 =	vmor vm11, vm0  }
0x24: {  	v6 =	vsel vm0, v13, v6;
	v7 =	vsel vm0, v14, v7  }
0x25: {  	vm12 =	veq.f32 v10, v6;
	vm13 =	vlt.s32 v9, v7  }
0x26: {  	vm14 =	vgt.f32 v10, v6;
	vm0 =	vmand vm12, vm13  }
0x27: {  	vm0 =	vmor vm14, vm0  }
0x28: {  	v6 =	vsel vm0, v10, v6  }
0x29: {  	(xrf0) =	vmax.scan.msk.f32 $0xffff, v6;
	_ =	sdelay $0x5  }
0x2a: {  	v8, _, _ =	vpop (xrf0)  }
0x2b: {  	v8 =	vbroadcast v8, $0xF  }
0x2c: {  	v7 =	vsel vm0, v9, v7  }
0x2d: {  	vm15 =	veq.f32 v6, v8;
	v6 =	vxor.u32 $0x80000000, v7  }
0x2e: {  	v6 =	vnsel vm15, $0xFFFFFFFF, v6  }
0x2f: {  	(xrf0) =	vmin.scan.msk.u32 $0xffff, v6;
	_ =	sdelay $0x5  }
0x30: {  	v6, _, _ =	vpop (xrf0)  }
0x31: {  	(v2sf) =	vpush v6, $0xF;
	_ =	sdelay $0x9  }
0x32: {  	s16 =	sadd.s32 $0x1, s16  }
0x33: {  	p0 =	sne.s32 s16, $0x200  }
.Ltmp2:
0x34: {  	_ = 	snop;
	(pc) =	sbr.rel @!p0 .LBB2_13-.Ltmp2, $3  }
0x35: {  	_ =	sdelay $0x1  }
0x36: {  	s17 =	spop (v2sf)  }
0x37: {  	s17 =	sxor.u32 $0x80000000, s17  }
.LBB2_4:
0x38: {  	s24 =	simm.s32 $0x0  }
0x39: {  	s17 =	smul.u32 $0x6, s17;
	v8 =	vor.u32 s24, v1  }
0x3a: {  	v9 =	vor.u32 s24, v3  }
0x3b: {  	v6 =	vmov s17  }
0x3c: {  	v7 =	vor.u32 $0x1, v6  }
0x3d: {  	v10 =	vadd.s32 $0x2, v6  }
0x3e: {  	v11 =	vor.u32 s24, v4;
	v12 =	vld.idx.msk [tilespmem:v8+s2+$0x0], $0xffff  }
0x3f: {  	v9 =	vld.idx.msk [tilespmem:v9+s2+$0x0], $0xffff  }
0x40: {  	v6 =	vld.idx.msk [tilespmem:v6+s2+$0x0], $0xffff  }
0x41: {  	v7 =	vld.idx.msk [tilespmem:v7+s2+$0x0], $0xffff  }
0x42: {  	v8 =	vld.idx.msk [tilespmem:v10+s2+$0x0], $0xffff  }
0x43: {  	s25 =	simm.s32 $0x0;
	v10 =	vld.idx.msk [tilespmem:v11+s2+$0x0], $0xffff  }
0x44: {  	v13 =	vor.u32 s25, v0;
	_ =	sdelay $0x1  }
0x45: {  	v11 =	vsub.f32 v12, v6;
	v9 =	vsub.f32 v9, v7;
	_ =	sdelay $0x1  }
0x46: {  	v10 =	vsub.f32 v10, v8;
	v11 =	vmul.f32 v11, v11;
	v9 =	vmul.f32 v9, v9  }
0x47: {  	v12 =	vld.idx.msk [tilespmem:v13+s12+$0x0], $0xffff  }
0x48: {  	s26 =	simm.s32 $0x60;
	v10 =	vmul.f32 v10, v10;
	v9 =	vadd.f32 v9, v11  }
0x49: {  	v11 =	vadd.s32 s26, v1  }
0x4a: {  	v9 =	vadd.f32 v10, v9;
	v10 =	vadd.s32 s26, v3;
	_ =	sdelay $0x1  }
0x4b: {  	v9 =	vmin.f32 v12, v9;
	v12 =	vadd.s32 s26, v4  }
0x4c: {  	[tilespmem:v13+s12+$0x0] =	vst.idx.msk $0xffff, v9  }
0x4d: {  	v11 =	vld.idx.msk [tilespmem:v11+s2+$0x0], $0xffff  }
0x4e: {  	v10 =	vld.idx.msk [tilespmem:v10+s2+$0x0], $0xffff;
	_ =	sdelay $0x1  }
0x4f: {  	s28 =	simm.s32 $0x10;
	v12 =	vld.idx.msk [tilespmem:v12+s2+$0x0], $0xffff  }
0x50: {  	v15 =	vor.u32 s28, v0;
	_ =	sdelay $0x1  }
0x51: {  	v11 =	vsub.f32 v11, v6;
	v10 =	vsub.f32 v10, v7;
	_ =	sdelay $0x1  }
0x52: {  	v11 =	vmul.f32 v11, v11;
	v12 =	vsub.f32 v12, v8;
	v10 =	vmul.f32 v10, v10  }
0x53: {  	v14 =	vld.idx.msk [tilespmem:v15+s12+$0x0], $0xffff  }
0x54: {  	s29 =	simm.s32 $0xC0;
	v10 =	vadd.f32 v10, v11;
	v11 =	vmul.f32 v12, v12  }
0x55: {  	v12 =	vadd.s32 s29, v1  }
0x56: {  	v10 =	vadd.f32 v11, v10;
	v11 =	vadd.s32 s29, v3;
	_ =	sdelay $0x1  }
0x57: {  	v14 =	vmin.f32 v14, v10;
	v10 =	vadd.s32 s29, v4  }
0x58: {  	[tilespmem:v15+s12+$0x0] =	vst.idx.msk $0xffff, v14  }
0x59: {  	v12 =	vld.idx.msk [tilespmem:v12+s2+$0x0], $0xffff  }
0x5a: {  	v11 =	vld.idx.msk [tilespmem:v11+s2+$0x0], $0xffff;
	_ =	sdelay $0x1  }
0x5b: {  	s30 =	simm.s32 $0x20;
	v10 =	vld.idx.msk [tilespmem:v10+s2+$0x0], $0xffff  }
0x5c: {  	v16 =	vor.u32 s30, v0;
	_ =	sdelay $0x1  }
0x5d: {  	v12 =	vsub.f32 v12, v6;
	v11 =	vsub.f32 v11, v7;
	_ =	sdelay $0x1  }
0x5e: {  	v12 =	vmul.f32 v12, v12;
	v10 =	vsub.f32 v10, v8;
	v11 =	vmul.f32 v11, v11  }
0x5f: {  	v17 =	vld.idx.msk [tilespmem:v16+s12+$0x0], $0xffff  }
0x60: {  	s31 =	simm.s32 $0x120;
	v11 =	vadd.f32 v11, v12;
	v10 =	vmul.f32 v10, v10  }
0x61: {  	v12 =	vadd.s32 s31, v1  }
0x62: {  	v18 =	vadd.s32 s31, v3;
	v10 =	vadd.f32 v10, v11;
	_ =	sdelay $0x1  }
0x63: {  	v11 =	vadd.s32 s31, v4;
	v19 =	vmin.f32 v17, v10  }
0x64: {  	[tilespmem:v16+s12+$0x0] =	vst.idx.msk $0xffff, v19  }
0x65: {  	v20 =	vld.idx.msk [tilespmem:v12+s2+$0x0], $0xffff  }
0x66: {  	v18 =	vld.idx.msk [tilespmem:v18+s2+$0x0], $0xffff;
	_ =	sdelay $0x1  }
0x67: {  	s18 =	simm.s32 $0x30;
	v21 =	vld.idx.msk [tilespmem:v11+s2+$0x0], $0xffff  }
0x68: {  	v17 =	vor.u32 s18, v0;
	v12 =	vimm.s32 $0x0;
	v11 =	vimm.f32 $-1.000000000e+00  }
0x69: {  	vm0 =	vgt.f32 v9, v11;
	vm14 =	vgt.f32 v14, v11;
	vm15 =	vgt.f32 v19, v11  }
0x6a: {  	v9 =	vsel vm0, v9, v11;
	v20 =	vsub.f32 v20, v6;
	v18 =	vsub.f32 v18, v7  }
0x6b: {  	v10 =	vsel vm0, v13, v12;
	v14 =	vsel vm14, v14, v11;
	v13 =	vsel vm14, v15, v12  }
0x6c: {  	s21 =	simm.s32 $0x180;
	v21 =	vsub.f32 v21, v8;
	v22 =	vmul.f32 v20, v20;
	v23 =	vmul.f32 v18, v18  }
0x6d: {  	v15 =	vsel vm15, v19, v11;
	v16 =	vsel vm15, v16, v12;
	v19 =	vor.u32 s21, v3  }
0x6e: {  	s19 =	simm.s32 $0x420;
	s17 =	simm.s32 $0x2A0;
	v18 =	vld.idx.msk [tilespmem:v17+s12+$0x0], $0xffff;
	v20 =	vor.u32 s21, v1;
	v21 =	vmul.f32 v21, v21;
	v22 =	vadd.f32 v23, v22  }
.LBB2_5:
0x6f: {  	p0 =	sne.s32 s19, $0x17FA0  }
0x70: {  	s18 =	sadd.s32 $0x40, s18;
	s20 =	smov.u32 s19;
	s19 =	sadd.s32 $0x180, s19  }
0x71: {  	v21 =	vadd.f32 v21, v22;
	_ =	sdelay $0x1  }
0x72: {  	v22 =	vor.u32 s21, v4;
	v18 =	vmin.f32 v18, v21  }
0x73: {  	[tilespmem:v17+s12+$0x0] =	vst.idx.msk $0xffff, v18;
	vm0 =	vgt.f32 v18, v11  }
0x74: {  	v20 =	vld.idx.msk [tilespmem:v20+s2+$0x0], $0xffff;
	v11 =	vsel vm0, v18, v11;
	v12 =	vsel vm0, v17, v12  }
0x75: {  	v17 =	vld.idx.msk [tilespmem:v19+s2+$0x0], $0xffff;
	_ =	sdelay $0x1  }
0x76: {  	s21 =	sadd.s32 $0xFFFFFFD0, s18;
	v18 =	vld.idx.msk [tilespmem:v22+s2+$0x0], $0xffff  }
0x77: {  	v19 =	vor.u32 s21, v0;
	_ =	sdelay $0x1  }
0x78: {  	v20 =	vsub.f32 v20, v6  }
0x79: {  	v17 =	vsub.f32 v17, v7;
	_ =	sdelay $0x1  }
0x7a: {  	v20 =	vmul.f32 v20, v20;
	v18 =	vsub.f32 v18, v8;
	v17 =	vmul.f32 v17, v17;
	v21 =	vld.idx.msk [tilespmem:v19+s12+$0x0], $0xffff;
	_ =	sdelay $0x1  }
0x7b: {  	s21 =	sadd.s32 $0xFFFFFF40, s17;
	v17 =	vadd.f32 v17, v20;
	v18 =	vmul.f32 v18, v18  }
0x7c: {  	v20 =	vadd.s32 s21, v1  }
0x7d: {  	v17 =	vadd.f32 v18, v17;
	v18 =	vadd.s32 s21, v3;
	_ =	sdelay $0x1  }
0x7e: {  	v17 =	vmin.f32 v21, v17;
	v21 =	vadd.s32 s21, v4  }
0x7f: {  	vm0 =	vgt.f32 v17, v9;
	[tilespmem:v19+s12+$0x0] =	vst.idx.msk $0xffff, v17  }
0x80: {  	v9 =	vsel vm0, v17, v9;
	v10 =	vsel vm0, v19, v10;
	v17 =	vld.idx.msk [tilespmem:v20+s2+$0x0], $0xffff  }
0x81: {  	v18 =	vld.idx.msk [tilespmem:v18+s2+$0x0], $0xffff;
	_ =	sdelay $0x1  }
0x82: {  	s21 =	sadd.s32 $0xFFFFFFE0, s18;
	v19 =	vld.idx.msk [tilespmem:v21+s2+$0x0], $0xffff  }
0x83: {  	v20 =	vor.u32 s21, v0;
	_ =	sdelay $0x1  }
0x84: {  	v17 =	vsub.f32 v17, v6  }
0x85: {  	v18 =	vsub.f32 v18, v7  }
0x86: {  	v17 =	vmul.f32 v17, v17  }
0x87: {  	v19 =	vsub.f32 v19, v8;
	v18 =	vmul.f32 v18, v18;
	v21 =	vld.idx.msk [tilespmem:v20+s12+$0x0], $0xffff;
	_ =	sdelay $0x1  }
0x88: {  	s21 =	sadd.s32 $0xFFFFFFA0, s17;
	v17 =	vadd.f32 v18, v17;
	v18 =	vmul.f32 v19, v19  }
0x89: {  	v19 =	vadd.s32 s21, v1  }
0x8a: {  	v17 =	vadd.f32 v18, v17;
	v18 =	vadd.s32 s21, v3;
	_ =	sdelay $0x1  }
0x8b: {  	v17 =	vmin.f32 v21, v17;
	v21 =	vadd.s32 s21, v4  }
0x8c: {  	vm0 =	vgt.f32 v17, v14;
	[tilespmem:v20+s12+$0x0] =	vst.idx.msk $0xffff, v17  }
0x8d: {  	v14 =	vsel vm0, v17, v14;
	v13 =	vsel vm0, v20, v13;
	v17 =	vld.idx.msk [tilespmem:v19+s2+$0x0], $0xffff  }
0x8e: {  	v18 =	vld.idx.msk [tilespmem:v18+s2+$0x0], $0xffff;
	_ =	sdelay $0x1  }
0x8f: {  	s21 =	sadd.s32 $0xFFFFFFF0, s18;
	v19 =	vld.idx.msk [tilespmem:v21+s2+$0x0], $0xffff  }
0x90: {  	v20 =	vor.u32 s21, v0;
	_ =	sdelay $0x1  }
0x91: {  	v17 =	vsub.f32 v17, v6  }
0x92: {  	v18 =	vsub.f32 v18, v7;
	_ =	sdelay $0x1  }
0x93: {  	v17 =	vmul.f32 v17, v17;
	v19 =	vsub.f32 v19, v8;
	v18 =	vmul.f32 v18, v18;
	v21 =	vld.idx.msk [tilespmem:v20+s12+$0x0], $0xffff;
	_ =	sdelay $0x1  }
0x94: {  	v17 =	vadd.f32 v18, v17;
	v18 =	vmul.f32 v19, v19  }
0x95: {  	v22 =	vadd.s32 s17, v3;
	v19 =	vadd.s32 s17, v1  }
0x96: {  	v17 =	vadd.f32 v18, v17  }
0x97: {  	v18 =	vadd.s32 s17, v4;
	s17 =	smov.u32 s20  }
0x98: {  	v21 =	vmin.f32 v21, v17;
	v17 =	vor.u32 s18, v0  }
0x99: {  	vm0 =	vgt.f32 v21, v15;
	[tilespmem:v20+s12+$0x0] =	vst.idx.msk $0xffff, v21  }
0x9a: {  	v15 =	vsel vm0, v21, v15;
	v16 =	vsel vm0, v20, v16;
	v19 =	vld.idx.msk [tilespmem:v19+s2+$0x0], $0xffff  }
0x9b: {  	v20 =	vld.idx.msk [tilespmem:v22+s2+$0x0], $0xffff  }
0x9c: {  	v21 =	vld.idx.msk [tilespmem:v18+s2+$0x0], $0xffff  }
0x9d: {  	v18 =	vld.idx.msk [tilespmem:v17+s12+$0x0], $0xffff;
	_ =	sdelay $0x2  }
0x9e: {  	v19 =	vsub.f32 v19, v6  }
.Ltmp3:
0x9f: {  	v20 =	vsub.f32 v20, v7;
	(pc) =	sbr.rel @p0 .LBB2_5-.Ltmp3, $4  }
0xa0: {  	v21 =	vsub.f32 v21, v8;
	v22 =	vmul.f32 v19, v19  }
0xa1: {  	v23 =	vmul.f32 v20, v20  }
0xa2: {  	s21 =	sadd.s32 $0xFFFFFEE0, s17;
	v21 =	vmul.f32 v21, v21  }
0xa3: {  	v19 =	vor.u32 s21, v3;
	v20 =	vor.u32 s21, v1;
	v22 =	vadd.f32 v23, v22  }
0xa4: {  	_ = 	snop  }
0xa5: {  	v21 =	vadd.f32 v21, v22;
	_ =	sdelay $0x1  }
0xa6: {  	v49 =	vor.u32 s21, v4;
	v18 =	vmin.f32 v18, v21  }
0xa7: {  	[tilespmem:v17+s12+$0x0] =	vst.idx.msk $0xffff, v18  }
0xa8: {  	v20 =	vld.idx.msk [tilespmem:v20+s2+$0x0], $0xffff  }
0xa9: {  	v19 =	vld.idx.msk [tilespmem:v19+s2+$0x0], $0xffff  }
0xaa: {  	s18 =	sadd.s32 $0x40, s18  }
0xab: {  	s19 =	sadd.s32 $0xFFFFFFD0, s18;
	v50 =	vld.idx.msk [tilespmem:v49+s2+$0x0], $0xffff  }
0xac: {  	v51 =	vor.u32 s19, v0;
	_ =	sdelay $0x1  }
0xad: {  	v20 =	vsub.f32 v20, v6;
	v19 =	vsub.f32 v19, v7;
	_ =	sdelay $0x1  }
0xae: {  	v21 =	vsub.f32 v50, v8;
	v20 =	vmul.f32 v20, v20;
	v19 =	vmul.f32 v19, v19  }
0xaf: {  	v23 =	vld.idx.msk [tilespmem:v51+s12+$0x0], $0xffff  }
0xb0: {  	s28 =	sadd.s32 $0xFFFFFF40, s17;
	v19 =	vadd.f32 v19, v20;
	v20 =	vmul.f32 v21, v21  }
0xb1: {  	v52 =	vadd.s32 s28, v1  }
0xb2: {  	v19 =	vadd.f32 v20, v19;
	v20 =	vadd.s32 s28, v3;
	_ =	sdelay $0x1  }
0xb3: {  	v53 =	vadd.s32 s28, v4;
	v19 =	vmin.f32 v23, v19  }
0xb4: {  	[tilespmem:v51+s12+$0x0] =	vst.idx.msk $0xffff, v19  }
0xb5: {  	v21 =	vld.idx.msk [tilespmem:v52+s2+$0x0], $0xffff  }
0xb6: {  	v20 =	vld.idx.msk [tilespmem:v20+s2+$0x0], $0xffff;
	_ =	sdelay $0x1  }
0xb7: {  	s29 =	sadd.s32 $0xFFFFFFE0, s18;
	v23 =	vld.idx.msk [tilespmem:v53+s2+$0x0], $0xffff  }
0xb8: {  	v24 =	vor.u32 s29, v0;
	_ =	sdelay $0x1  }
0xb9: {  	v21 =	vsub.f32 v21, v6;
	v20 =	vsub.f32 v20, v7;
	_ =	sdelay $0x1  }
0xba: {  	v23 =	vsub.f32 v23, v8;
	v21 =	vmul.f32 v21, v21;
	v20 =	vmul.f32 v20, v20  }
0xbb: {  	v25 =	vld.idx.msk [tilespmem:v24+s12+$0x0], $0xffff  }
0xbc: {  	s30 =	sadd.s32 $0xFFFFFFA0, s17;
	v54 =	vmul.f32 v23, v23;
	v20 =	vadd.f32 v20, v21  }
0xbd: {  	v55 =	vadd.s32 s30, v1  }
0xbe: {  	v56 =	vadd.s32 s30, v3;
	v20 =	vadd.f32 v54, v20;
	_ =	sdelay $0x1  }
0xbf: {  	v57 =	vadd.s32 s30, v4;
	v20 =	vmin.f32 v25, v20  }
0xc0: {  	[tilespmem:v24+s12+$0x0] =	vst.idx.msk $0xffff, v20  }
0xc1: {  	v23 =	vld.idx.msk [tilespmem:v55+s2+$0x0], $0xffff  }
0xc2: {  	v21 =	vld.idx.msk [tilespmem:v56+s2+$0x0], $0xffff;
	_ =	sdelay $0x1  }
0xc3: {  	s31 =	sadd.s32 $0xFFFFFFF0, s18;
	v25 =	vld.idx.msk [tilespmem:v57+s2+$0x0], $0xffff  }
0xc4: {  	v26 =	vor.u32 s31, v0;
	_ =	sdelay $0x1  }
0xc5: {  	v23 =	vsub.f32 v23, v6;
	v21 =	vsub.f32 v21, v7;
	_ =	sdelay $0x1  }
0xc6: {  	v25 =	vsub.f32 v25, v8;
	v23 =	vmul.f32 v23, v23;
	v21 =	vmul.f32 v21, v21  }
0xc7: {  	v27 =	vld.idx.msk [tilespmem:v26+s12+$0x0], $0xffff  }
0xc8: {  	v58 =	vmul.f32 v25, v25;
	v21 =	vadd.f32 v21, v23  }
0xc9: {  	v59 =	vadd.s32 s17, v1  }
0xca: {  	v28 =	vadd.s32 s17, v3;
	v21 =	vadd.f32 v58, v21;
	_ =	sdelay $0x1  }
0xcb: {  	v60 =	vadd.s32 s17, v4;
	v21 =	vmin.f32 v27, v21  }
0xcc: {  	[tilespmem:v26+s12+$0x0] =	vst.idx.msk $0xffff, v21  }
0xcd: {  	v25 =	vld.idx.msk [tilespmem:v59+s2+$0x0], $0xffff  }
0xce: {  	v61 =	vld.idx.msk [tilespmem:v28+s2+$0x0], $0xffff;
	_ =	sdelay $0x1  }
0xcf: {  	v23 =	vld.idx.msk [tilespmem:v60+s2+$0x0], $0xffff  }
0xd0: {  	v62 =	vor.u32 s18, v0;
	_ =	sdelay $0x1  }
0xd1: {  	v25 =	vsub.f32 v25, v6;
	v27 =	vsub.f32 v61, v7;
	_ =	sdelay $0x1  }
0xd2: {  	v23 =	vsub.f32 v23, v8;
	v25 =	vmul.f32 v25, v25;
	v27 =	vmul.f32 v27, v27  }
0xd3: {  	p0 =	slt.u32 s16, s3;
	v29 =	vld.idx.msk [tilespmem:v62+s12+$0x0], $0xffff  }
0xd4: {  	p1 =	sge.u32 @!p0 s16, s5;
	vm0 =	vgt.f32 v18, v11;
	v23 =	vmul.f32 v23, v23;
	v25 =	vadd.f32 v27, v25  }
0xd5: {  	p0 =	por p0, p1;
	v63 =	vsel vm0, v18, v11;
	v30 =	vsel vm0, v17, v12  }
.Ltmp4:
0xd6: {  	vm13 =	vgt.f32 v19, v9;
	vm1 =	vgt.f32 v20, v14;
	v23 =	vadd.f32 v23, v25;
	(pc) =	sbr.rel @p0 .LBB2_12-.Ltmp4, $4  }
0xd7: {  	v11 =	vsel vm13, v19, v9;
	v12 =	vsel vm13, v51, v10;
	v17 =	vsel vm1, v20, v14  }
0xd8: {  	v18 =	vsel vm1, v24, v13;
	vm14 =	vgt.f32 v21, v15;
	v9 =	vmin.f32 v29, v23  }
0xd9: {  	v13 =	vsel vm14, v21, v15;
	v14 =	vsel vm14, v26, v16;
	vm15 =	vgt.f32 v9, v63  }
0xda: {  	[tilespmem:v62+s12+$0x0] =	vst.idx.msk $0xffff, v9;
	v10 =	vsel vm15, v9, v63;
	v9 =	vsel vm15, v62, v30  }
.Ltmp5:
0xdb: {  	(pc) =	sbr.rel .LBB2_8-.Ltmp5, $2  }
0xdc: {  	_ =	sdelay $0x2  }
0xdd: {  	v15 =	vimm.s32 $0x0;
	v19 =	vimm.f32 $3.000000010e+38;
	s17 =	simm.s32 $0x120;
	s18 =	simm.s32 $0x30;
	v16 =	vimm.f32 $3.000000010e+38  }
.LBB2_10:
0xde: {  	s17 =	sadd.s32 $0x180, s17  }
0xdf: {  	p0 =	sne.s32 s17, $0x18120  }
.Ltmp6:
0xe0: {  	_ = 	snop;
	(pc) =	sbr.rel @!p0 .LBB2_11-.Ltmp6, $2  }
0xe1: {  	_ =	sdelay $0x2  }
0xe2: {  	s18 =	sadd.s32 $0x40, s18  }
.LBB2_8:
0xe3: {  	s19 =	sadd.s32 $0xFFFFFF40, s17;
	v27 =	vadd.s32 s17, v1  }
0xe4: {  	v20 =	vadd.s32 s19, v1  }
0xe5: {  	s20 =	sadd.s32 $0xFFFFFFA0, s17;
	v21 =	vadd.s32 s19, v3  }
0xe6: {  	v22 =	vadd.s32 s20, v1  }
0xe7: {  	v23 =	vadd.s32 s20, v3  }
0xe8: {  	s21 =	sadd.s32 $0xFFFFFEE0, s17;
	v28 =	vadd.s32 s17, v3;
	v27 =	vld.idx.msk [tilespmem:v27+s2+$0x0], $0xffff  }
0xe9: {  	v24 =	vor.u32 s21, v1;
	v20 =	vld.idx.msk [tilespmem:v20+s2+$0x0], $0xffff  }
0xea: {  	v26 =	vadd.s32 s19, v4;
	v21 =	vld.idx.msk [tilespmem:v21+s2+$0x0], $0xffff  }
0xeb: {  	v25 =	vor.u32 s21, v3;
	v22 =	vld.idx.msk [tilespmem:v22+s2+$0x0], $0xffff  }
0xec: {  	v29 =	vadd.s32 s20, v4;
	v23 =	vld.idx.msk [tilespmem:v23+s2+$0x0], $0xffff  }
0xed: {  	v30 =	vadd.s32 s17, v4;
	v28 =	vld.idx.msk [tilespmem:v28+s2+$0x0], $0xffff  }
0xee: {  	v31 =	vor.u32 s21, v4;
	v24 =	vld.idx.msk [tilespmem:v24+s2+$0x0], $0xffff  }
0xef: {  	v26 =	vld.idx.msk [tilespmem:v26+s2+$0x0], $0xffff;
	v20 =	vsub.f32 v20, v6;
	v21 =	vsub.f32 v21, v7  }
0xf0: {  	v25 =	vld.idx.msk [tilespmem:v25+s2+$0x0], $0xffff;
	v22 =	vsub.f32 v22, v6  }
0xf1: {  	v29 =	vld.idx.msk [tilespmem:v29+s2+$0x0], $0xffff;
	v23 =	vsub.f32 v23, v7;
	v20 =	vmul.f32 v20, v20;
	v21 =	vmul.f32 v21, v21  }
0xf2: {  	v30 =	vld.idx.msk [tilespmem:v30+s2+$0x0], $0xffff;
	v56 =	vsub.f32 v27, v6;
	v57 =	vsub.f32 v28, v7  }
0xf3: {  	v22 =	vmul.f32 v22, v22;
	v23 =	vmul.f32 v23, v23;
	v20 =	vadd.f32 v21, v20;
	v21 =	vld.idx.msk [tilespmem:v31+s2+$0x0], $0xffff  }
0xf4: {  	v24 =	vsub.f32 v24, v6;
	v26 =	vsub.f32 v26, v8  }
0xf5: {  	v23 =	vadd.f32 v23, v22;
	v22 =	vsub.f32 v25, v7  }
0xf6: {  	v58 =	vsub.f32 v29, v8;
	v27 =	vmul.f32 v57, v57;
	v24 =	vmul.f32 v24, v24  }
0xf7: {  	v59 =	vsub.f32 v30, v8;
	v25 =	vmul.f32 v56, v56;
	v22 =	vmul.f32 v22, v22  }
0xf8: {  	v61 =	vmul.f32 v58, v58;
	v60 =	vsub.f32 v21, v8;
	v21 =	vmul.f32 v26, v26  }
0xf9: {  	v62 =	vmul.f32 v59, v59;
	v25 =	vadd.f32 v27, v25;
	v24 =	vadd.f32 v22, v24  }
0xfa: {  	v22 =	vadd.f32 v21, v20;
	v21 =	vadd.f32 v61, v23;
	v23 =	vmul.f32 v60, v60  }
0xfb: {  	v20 =	vadd.f32 v62, v25  }
0xfc: {  	v23 =	vadd.f32 v23, v24;
	vm0 =	vlt.f32 v22, v19;
	vm1 =	vlt.f32 v21, v19  }
0xfd: {  	vm2 =	vlt.f32 v20, v19;
	vm1 =	vmor vm0, vm1  }
0xfe: {  	vm0 =	vlt.f32 v23, v19;
	vm1 =	vmor vm1, vm2  }
0xff: {  	vm1 =	vmor vm0, vm1  }
0x100: {  	v63 =	vsel vm1, $0x3F800000, v5  }
0x101: {  	(xrf0) =	vmax.scan.msk.f32 $0xffff, v63;
	_ =	sdelay $0x5  }
0x102: {  	v24, _, _ =	vpop (xrf0)  }
0x103: {  	(v2sf) =	vpush v24, $0xF;
	_ =	sdelay $0xe  }
0x104: {  	s31 =	spop (v2sf)  }
0x105: {  	p0 =	sgt.f32 s31, $0.0e+00  }
.Ltmp7:
0x106: {  	_ = 	snop;
	(pc) =	sbr.rel @!p0 .LBB2_10-.Ltmp7, $1  }
0x107: {  	_ =	sdelay $0x3  }
0x108: {  	v24 =	vsel vm0, $0x3F800000, v5  }
0x109: {  	(xrf0) =	vmax.scan.msk.f32 $0xffff, v24;
	_ =	sdelay $0x5  }
0x10a: {  	v24, _, _ =	vpop (xrf0)  }
0x10b: {  	(v2sf) =	vpush v24, $0xF;
	_ =	sdelay $0xe  }
0x10c: {  	s19 =	spop (v2sf)  }
0x10d: {  	s25 =	sadd.s32 $0xFFFFFFD0, s18;
	p1 =	sgt.f32 s19, $0.0e+00  }
0x10e: {  	v24 =	vor.u32 s25, v0  }
0x10f: {  	(xrf1) =	vsort.ascd.msk.f32 @p1 $0xffff, v23, v24;
	_ =	sdelay $0xa  }
0x110: {  	v23 =	vlaneseq.u32 @p1  }
0x111: {  	v23 =	vmul.u32 @p1 $0xFFFFFFFF, v23;
	_ =	sdelay $0x1  }
0x112: {  	v23 =	vadd.s32 @p1 $0xF, v23;
	v24, v25, _ =	vpop @p1 (xrf1)  }
0x113: {  	v24 =	vperm.xlane @p1 v24, v23  }
0x114: {  	v23 =	vperm.xlane @p1 v25, v23  }
0x115: {  	vm0 =	vlt.f32 @p1 v24, v16  }
0x116: {  	v24 =	vsel @p1 vm0, v24, v16;
	v23 =	vsel @p1 vm0, v23, v15  }
0x117: {  	(xrf1) =	vsort.ascd.msk.f32 @p1 $0xffff, v24, v23;
	_ =	sdelay $0xd  }
0x118: {  	v23, v24, _ =	vpop @p1 (xrf1)  }
0x119: {  	(xrf0) =	vmax.scan.msk.f32 @p1 $0xffff, v23;
	_ =	sdelay $0x5  }
0x11a: {  	v25, _, _ =	vpop @p1 (xrf0)  }
0x11b: {  	v25 =	vbroadcast @p1 v25, $0xF;
	_ =	sdelay $0x1  }
0x11c: {  	v19 =	vpsel p1, v25, v19  }
0x11d: {  	vm13 =	vlt.f32 v22, v19  }
0x11e: {  	v61 =	vsel vm13, $0x3F800000, v5  }
0x11f: {  	(xrf0) =	vmax.scan.msk.f32 $0xffff, v61;
	_ =	sdelay $0x5  }
0x120: {  	v25, _, _ =	vpop (xrf0)  }
0x121: {  	(v2sf) =	vpush v25, $0xF;
	_ =	sdelay $0xe  }
0x122: {  	s26 =	spop (v2sf)  }
0x123: {  	s28 =	sadd.s32 $0xFFFFFFE0, s18;
	p0 =	sgt.f32 s26, $0.0e+00  }
0x124: {  	v25 =	vor.u32 s28, v0  }
0x125: {  	(xrf1) =	vsort.ascd.msk.f32 @p0 $0xffff, v22, v25;
	_ =	sdelay $0xa  }
0x126: {  	v22 =	vlaneseq.u32 @p0  }
0x127: {  	v22 =	vmul.u32 @p0 $0xFFFFFFFF, v22;
	_ =	sdelay $0x1  }
0x128: {  	v22 =	vadd.s32 @p0 $0xF, v22;
	v25, v26, _ =	vpop @p0 (xrf1)  }
0x129: {  	v25 =	vperm.xlane @p0 v25, v22  }
0x12a: {  	v16 =	vpsel p1, v23, v16;
	v22 =	vperm.xlane @p0 v26, v22  }
0x12b: {  	v15 =	vpsel p1, v24, v15;
	vm0 =	vlt.f32 @p0 v25, v16  }
0x12c: {  	v23 =	vsel @p0 vm0, v25, v16;
	v22 =	vsel @p0 vm0, v22, v15  }
0x12d: {  	(xrf1) =	vsort.ascd.msk.f32 @p0 $0xffff, v23, v22;
	_ =	sdelay $0xd  }
0x12e: {  	v22, v23, _ =	vpop @p0 (xrf1)  }
0x12f: {  	(xrf0) =	vmax.scan.msk.f32 @p0 $0xffff, v22;
	_ =	sdelay $0x5  }
0x130: {  	v24, _, _ =	vpop @p0 (xrf0)  }
0x131: {  	v24 =	vbroadcast @p0 v24, $0xF;
	_ =	sdelay $0x1  }
0x132: {  	v19 =	vpsel p0, v24, v19  }
0x133: {  	vm14 =	vlt.f32 v21, v19  }
0x134: {  	v62 =	vsel vm14, $0x3F800000, v5  }
0x135: {  	(xrf0) =	vmax.scan.msk.f32 $0xffff, v62;
	_ =	sdelay $0x5  }
0x136: {  	v24, _, _ =	vpop (xrf0)  }
0x137: {  	(v2sf) =	vpush v24, $0xF;
	_ =	sdelay $0xe  }
0x138: {  	s29 =	spop (v2sf)  }
0x139: {  	s30 =	sadd.s32 $0xFFFFFFF0, s18;
	p1 =	sgt.f32 s29, $0.0e+00  }
0x13a: {  	v24 =	vor.u32 s30, v0  }
0x13b: {  	(xrf1) =	vsort.ascd.msk.f32 @p1 $0xffff, v21, v24;
	_ =	sdelay $0xa  }
0x13c: {  	v21 =	vlaneseq.u32 @p1  }
0x13d: {  	v21 =	vmul.u32 @p1 $0xFFFFFFFF, v21;
	_ =	sdelay $0x1  }
0x13e: {  	v21 =	vadd.s32 @p1 $0xF, v21;
	v24, v25, _ =	vpop @p1 (xrf1)  }
0x13f: {  	v24 =	vperm.xlane @p1 v24, v21  }
0x140: {  	v16 =	vpsel p0, v22, v16;
	v21 =	vperm.xlane @p1 v25, v21  }
0x141: {  	v15 =	vpsel p0, v23, v15;
	vm0 =	vlt.f32 @p1 v24, v16  }
0x142: {  	v22 =	vsel @p1 vm0, v24, v16;
	v21 =	vsel @p1 vm0, v21, v15  }
0x143: {  	(xrf1) =	vsort.ascd.msk.f32 @p1 $0xffff, v22, v21;
	_ =	sdelay $0xd  }
0x144: {  	v21, v22, _ =	vpop @p1 (xrf1)  }
0x145: {  	(xrf0) =	vmax.scan.msk.f32 @p1 $0xffff, v21;
	_ =	sdelay $0x5  }
0x146: {  	v23, _, _ =	vpop @p1 (xrf0)  }
0x147: {  	v23 =	vbroadcast @p1 v23, $0xF;
	_ =	sdelay $0x1  }
0x148: {  	v19 =	vpsel p1, v23, v19  }
0x149: {  	vm15 =	vlt.f32 v20, v19  }
0x14a: {  	v63 =	vsel vm15, $0x3F800000, v5  }
0x14b: {  	(xrf0) =	vmax.scan.msk.f32 $0xffff, v63;
	_ =	sdelay $0x5  }
0x14c: {  	v23, _, _ =	vpop (xrf0)  }
0x14d: {  	(v2sf) =	vpush v23, $0xF;
	_ =	sdelay $0xe  }
0x14e: {  	s31 =	spop (v2sf)  }
0x14f: {  	p0 =	sgt.f32 s31, $0.0e+00  }
0x150: {  	v23 =	vor.u32 s18, v0  }
0x151: {  	(xrf1) =	vsort.ascd.msk.f32 @p0 $0xffff, v20, v23;
	_ =	sdelay $0xa  }
0x152: {  	v20 =	vlaneseq.u32 @p0  }
0x153: {  	v20 =	vmul.u32 @p0 $0xFFFFFFFF, v20;
	_ =	sdelay $0x1  }
0x154: {  	v20 =	vadd.s32 @p0 $0xF, v20;
	v23, v24, _ =	vpop @p0 (xrf1)  }
0x155: {  	v23 =	vperm.xlane @p0 v23, v20  }
0x156: {  	v16 =	vpsel p1, v21, v16;
	v20 =	vperm.xlane @p0 v24, v20  }
0x157: {  	v15 =	vpsel p1, v22, v15;
	vm0 =	vlt.f32 @p0 v23, v16  }
0x158: {  	v21 =	vsel @p0 vm0, v23, v16;
	v20 =	vsel @p0 vm0, v20, v15  }
0x159: {  	(xrf1) =	vsort.ascd.msk.f32 @p0 $0xffff, v21, v20;
	_ =	sdelay $0xd  }
0x15a: {  	v20, v21, _ =	vpop @p0 (xrf1)  }
0x15b: {  	(xrf0) =	vmax.scan.msk.f32 @p0 $0xffff, v20;
	_ =	sdelay $0x4  }
.Ltmp8:
0x15c: {  	_ = 	snop;
	(pc) =	sbr.rel .LBB2_10-.Ltmp8, $3  }
0x15d: {  	v22, _, _ =	vpop @p0 (xrf0)  }
0x15e: {  	v22 =	vbroadcast @p0 v22, $0xF;
	_ =	sdelay $0x1  }
0x15f: {  	v16 =	vpsel p0, v20, v16;
	v15 =	vpsel p0, v21, v15;
	v19 =	vpsel p0, v22, v19  }
.LBB2_13:
0x160: {  	s16 =	simm.s32 $0x0  }
0x161: {  	v6 =	vor.u32 s16, v0;
	_ =	sdelay $0x4  }
0x162: {  	v6 =	vld.idx.msk [tilespmem:v6+s13+$0x0], $0xffff;
	_ =	sdelay $0x4  }
0x163: {  	v6 =	vmul.u32 $0x6, v6;
	_ =	sdelay $0x5  }
0x164: {  	v8 =	vadd.s32 s16, v1;
	v7 =	vld.idx.msk [tilespmem:v6+s2+$0x0], $0xffff  }
0x165: {  	v9 =	vor.u32 $0x1, v6;
	_ =	sdelay $0x3  }
0x166: {  	s17 =	simm.s32 $0x1;
	[tilespmem:v8+s14+$0x0] =	vst.idx.msk $0xffff, v7  }
0x167: {  	v8 =	vadd.s32 s17, v1;
	v7 =	vld.idx.msk [tilespmem:v9+s2+$0x0], $0xffff  }
0x168: {  	v9 =	vadd.s32 $0x2, v6;
	_ =	sdelay $0x3  }
0x169: {  	s29 =	simm.s32 $0x2;
	[tilespmem:v8+s14+$0x0] =	vst.idx.msk $0xffff, v7  }
0x16a: {  	v8 =	vadd.s32 s29, v1;
	v7 =	vld.idx.msk [tilespmem:v9+s2+$0x0], $0xffff  }
0x16b: {  	v9 =	vadd.s32 $0x3, v6;
	_ =	sdelay $0x3  }
0x16c: {  	s30 =	simm.s32 $0x3;
	[tilespmem:v8+s14+$0x0] =	vst.idx.msk $0xffff, v7  }
0x16d: {  	v8 =	vadd.s32 s30, v1;
	v7 =	vld.idx.msk [tilespmem:v9+s2+$0x0], $0xffff  }
0x16e: {  	v9 =	vadd.s32 $0x4, v6;
	_ =	sdelay $0x3  }
0x16f: {  	s31 =	simm.s32 $0x4;
	[tilespmem:v8+s14+$0x0] =	vst.idx.msk $0xffff, v7  }
0x170: {  	v8 =	vadd.s32 s31, v1;
	v7 =	vld.idx.msk [tilespmem:v9+s2+$0x0], $0xffff  }
0x171: {  	v6 =	vadd.s32 $0x5, v6;
	_ =	sdelay $0x3  }
0x172: {  	s19 =	simm.s32 $0x5;
	[tilespmem:v8+s14+$0x0] =	vst.idx.msk $0xffff, v7  }
0x173: {  	s18 =	simm.s32 $0x10;
	v8 =	vadd.s32 s19, v1;
	v6 =	vld.idx.msk [tilespmem:v6+s2+$0x0], $0xffff  }
0x174: {  	s17 =	simm.s32 $0x20;
	v7 =	vor.u32 s18, v0  }
.LBB2_14:
0x175: {  	_ =	sdelay $0x1  }
0x176: {  	p0 =	sne.s32 s17, $0x3F0  }
0x177: {  	s16 =	sadd.s32 $0x60, s16;
	s18 =	smov.u32 s17;
	s17 =	sadd.s32 $0x10, s17;
	[tilespmem:v8+s14+$0x0] =	vst.idx.msk $0xffff, v6  }
0x178: {  	v6 =	vld.idx.msk [tilespmem:v7+s13+$0x0], $0xffff;
	_ =	sdelay $0x5  }
0x179: {  	v6 =	vmul.u32 $0x6, v6;
	_ =	sdelay $0x5  }
0x17a: {  	v7 =	vld.idx.msk [tilespmem:v6+s2+$0x0], $0xffff  }
0x17b: {  	v8 =	vadd.s32 s16, v1  }
0x17c: {  	v9 =	vor.u32 $0x1, v6;
	_ =	sdelay $0x3  }
0x17d: {  	[tilespmem:v8+s14+$0x0] =	vst.idx.msk $0xffff, v7  }
0x17e: {  	s19 =	sadd.s32 $0x1, s16;
	v7 =	vld.idx.msk [tilespmem:v9+s2+$0x0], $0xffff  }
0x17f: {  	v8 =	vadd.s32 s19, v1  }
0x180: {  	v9 =	vadd.s32 $0x2, v6;
	_ =	sdelay $0x3  }
0x181: {  	[tilespmem:v8+s14+$0x0] =	vst.idx.msk $0xffff, v7  }
0x182: {  	s19 =	sadd.s32 $0x2, s16;
	v7 =	vld.idx.msk [tilespmem:v9+s2+$0x0], $0xffff  }
0x183: {  	v8 =	vadd.s32 s19, v1  }
0x184: {  	v9 =	vadd.s32 $0x3, v6;
	_ =	sdelay $0x3  }
0x185: {  	[tilespmem:v8+s14+$0x0] =	vst.idx.msk $0xffff, v7  }
0x186: {  	s19 =	sadd.s32 $0x3, s16;
	v7 =	vld.idx.msk [tilespmem:v9+s2+$0x0], $0xffff  }
0x187: {  	v8 =	vadd.s32 s19, v1  }
0x188: {  	v9 =	vadd.s32 $0x4, v6;
	_ =	sdelay $0x3  }
0x189: {  	[tilespmem:v8+s14+$0x0] =	vst.idx.msk $0xffff, v7  }
0x18a: {  	s19 =	sadd.s32 $0x4, s16;
	v7 =	vld.idx.msk [tilespmem:v9+s2+$0x0], $0xffff  }
0x18b: {  	v8 =	vadd.s32 s19, v1  }
0x18c: {  	v6 =	vadd.s32 $0x5, v6;
	_ =	sdelay $0x2  }
.Ltmp9:
0x18d: {  	(pc) =	sbr.rel @p0 .LBB2_14-.Ltmp9, $4  }
0x18e: {  	[tilespmem:v8+s14+$0x0] =	vst.idx.msk $0xffff, v7  }
0x18f: {  	s19 =	sadd.s32 $0x5, s16;
	v6 =	vld.idx.msk [tilespmem:v6+s2+$0x0], $0xffff  }
0x190: {  	v8 =	vadd.s32 s19, v1  }
0x191: {  	v7 =	vor.u32 s18, v0  }
0x192: {  	_ =	sdelay $0x3  }
0x193: {  	[tilespmem:v8+s14+$0x0] =	vst.idx.msk $0xffff, v6  }
0x194: {  	v6 =	vld.idx.msk [tilespmem:v7+s13+$0x0], $0xffff;
	_ =	sdelay $0x4  }
0x195: {  	v6 =	vmul.u32 $0x6, v6;
	_ =	sdelay $0x4  }
0x196: {  	s16 =	sadd.s32 $0x60, s16  }
0x197: {  	v8 =	vadd.s32 s16, v1;
	v7 =	vld.idx.msk [tilespmem:v6+s2+$0x0], $0xffff  }
0x198: {  	v9 =	vor.u32 $0x1, v6;
	_ =	sdelay $0x3  }
0x199: {  	s17 =	sadd.s32 $0x1, s16;
	[tilespmem:v8+s14+$0x0] =	vst.idx.msk $0xffff, v7  }
0x19a: {  	v8 =	vadd.s32 s17, v1;
	v7 =	vld.idx.msk [tilespmem:v9+s2+$0x0], $0xffff  }
0x19b: {  	v9 =	vadd.s32 $0x2, v6;
	_ =	sdelay $0x3  }
0x19c: {  	s22 =	sadd.s32 $0x2, s16;
	[tilespmem:v8+s14+$0x0] =	vst.idx.msk $0xffff, v7  }
0x19d: {  	v8 =	vadd.s32 s22, v1;
	v7 =	vld.idx.msk [tilespmem:v9+s2+$0x0], $0xffff  }
0x19e: {  	v9 =	vadd.s32 $0x3, v6;
	_ =	sdelay $0x3  }
0x19f: {  	s23 =	sadd.s32 $0x3, s16;
	[tilespmem:v8+s14+$0x0] =	vst.idx.msk $0xffff, v7  }
0x1a0: {  	v8 =	vadd.s32 s23, v1;
	v7 =	vld.idx.msk [tilespmem:v9+s2+$0x0], $0xffff  }
0x1a1: {  	v9 =	vadd.s32 $0x4, v6;
	_ =	sdelay $0x3  }
0x1a2: {  	s24 =	sadd.s32 $0x4, s16;
	[tilespmem:v8+s14+$0x0] =	vst.idx.msk $0xffff, v7  }
0x1a3: {  	v8 =	vadd.s32 s24, v1;
	v7 =	vld.idx.msk [tilespmem:v9+s2+$0x0], $0xffff  }
0x1a4: {  	v6 =	vadd.s32 $0x5, v6;
	_ =	sdelay $0x3  }
0x1a5: {  	s16 =	sadd.s32 $0x5, s16;
	[tilespmem:v8+s14+$0x0] =	vst.idx.msk $0xffff, v7  }
0x1a6: {  	v7 =	vadd.s32 s16, v1;
	v6 =	vld.idx.msk [tilespmem:v6+s2+$0x0], $0xffff;
	_ =	sdelay $0x3  }
0x1a7: {  	s25 =	simm.s32 $0x400  }
0x1a8: {  	[tilespmem:v7+s14+$0x0] =	vst.idx.msk $0xffff, v6;
	v6 =	vor.u32 s25, v0  }
0x1a9: {  	[hbm4b:s6+s2] =	stream.linear.scatter [tilespmem:s14], [sflag:$0x1], $0x1800, $0x38;
	[tilespmem:$0x1E000] =	vst v63  }
0x1aa: {  	_ =	swait.ge [sflag:s11], $0x1800  }
0x1ab: {  	[sflag:s11] =	ssyncset.done $0x0  }
0x1ac: {  	[sflag:s11] =	ssyncadd.s32 $0xFFFFE800  }
0x1ad: {  	v6 =	vld.idx.msk [tilespmem:v6+s13+$0x0], $0xffff;
	_ =	sdelay $0x4  }
0x1ae: {  	v6 =	vmul.u32 $0x6, v6;
	_ =	sdelay $0x4  }
0x1af: {  	s26 =	simm.s32 $0x0  }
0x1b0: {  	v8 =	vadd.s32 s26, v1;
	v7 =	vld.idx.msk [tilespmem:v6+s2+$0x0], $0xffff  }
0x1b1: {  	v9 =	vor.u32 $0x1, v6;
	_ =	sdelay $0x3  }
0x1b2: {  	s28 =	simm.s32 $0x1;
	[tilespmem:v8+s14+$0x0] =	vst.idx.msk $0xffff, v7  }
0x1b3: {  	v8 =	vadd.s32 s28, v1;
	v7 =	vld.idx.msk [tilespmem:v9+s2+$0x0], $0xffff  }
0x1b4: {  	v9 =	vadd.s32 $0x2, v6;
	_ =	sdelay $0x3  }
0x1b5: {  	s29 =	simm.s32 $0x2;
	[tilespmem:v8+s14+$0x0] =	vst.idx.msk $0xffff, v7  }
0x1b6: {  	v8 =	vadd.s32 s29, v1;
	v7 =	vld.idx.msk [tilespmem:v9+s2+$0x0], $0xffff  }
0x1b7: {  	v9 =	vadd.s32 $0x3, v6;
	_ =	sdelay $0x3  }
0x1b8: {  	s30 =	simm.s32 $0x3;
	[tilespmem:v8+s14+$0x0] =	vst.idx.msk $0xffff, v7  }
0x1b9: {  	v8 =	vadd.s32 s30, v1;
	v7 =	vld.idx.msk [tilespmem:v9+s2+$0x0], $0xffff  }
0x1ba: {  	v9 =	vadd.s32 $0x4, v6;
	_ =	sdelay $0x3  }
0x1bb: {  	s31 =	simm.s32 $0x4;
	[tilespmem:v8+s14+$0x0] =	vst.idx.msk $0xffff, v7  }
0x1bc: {  	v8 =	vadd.s32 s31, v1;
	v7 =	vld.idx.msk [tilespmem:v9+s2+$0x0], $0xffff  }
0x1bd: {  	v6 =	vadd.s32 $0x5, v6;
	_ =	sdelay $0x3  }
0x1be: {  	s16 =	simm.s32 $0x5;
	[tilespmem:v8+s14+$0x0] =	vst.idx.msk $0xffff, v7  }
0x1bf: {  	s18 =	simm.s32 $0x410;
	v8 =	vadd.s32 s16, v1;
	v6 =	vld.idx.msk [tilespmem:v6+s2+$0x0], $0xffff  }
0x1c0: {  	s17 =	simm.s32 $0x420;
	v7 =	vor.u32 s18, v0  }
.LBB2_16:
0x1c1: {  	_ =	sdelay $0x1  }
0x1c2: {  	p0 =	sne.s32 s17, $0x7F0  }
0x1c3: {  	s16 =	sadd.s32 $0x60, s16;
	s18 =	smov.u32 s17;
	s17 =	sadd.s32 $0x10, s17;
	[tilespmem:v8+s14+$0x0] =	vst.idx.msk $0xffff, v6  }
0x1c4: {  	v6 =	vld.idx.msk [tilespmem:v7+s13+$0x0], $0xffff;
	_ =	sdelay $0x5  }
0x1c5: {  	v6 =	vmul.u32 $0x6, v6;
	_ =	sdelay $0x5  }
0x1c6: {  	s19 =	sadd.s32 $0xFFFFFFFB, s16;
	v7 =	vld.idx.msk [tilespmem:v6+s2+$0x0], $0xffff  }
0x1c7: {  	v8 =	vadd.s32 s19, v1  }
0x1c8: {  	v9 =	vor.u32 $0x1, v6;
	_ =	sdelay $0x3  }
0x1c9: {  	[tilespmem:v8+s14+$0x0] =	vst.idx.msk $0xffff, v7  }
0x1ca: {  	s19 =	sadd.s32 $0xFFFFFFFC, s16;
	v7 =	vld.idx.msk [tilespmem:v9+s2+$0x0], $0xffff  }
0x1cb: {  	v8 =	vadd.s32 s19, v1  }
0x1cc: {  	v9 =	vadd.s32 $0x2, v6;
	_ =	sdelay $0x3  }
0x1cd: {  	[tilespmem:v8+s14+$0x0] =	vst.idx.msk $0xffff, v7  }
0x1ce: {  	s19 =	sadd.s32 $0xFFFFFFFD, s16;
	v7 =	vld.idx.msk [tilespmem:v9+s2+$0x0], $0xffff  }
0x1cf: {  	v8 =	vadd.s32 s19, v1  }
0x1d0: {  	v9 =	vadd.s32 $0x3, v6;
	_ =	sdelay $0x3  }
0x1d1: {  	[tilespmem:v8+s14+$0x0] =	vst.idx.msk $0xffff, v7  }
0x1d2: {  	s19 =	sadd.s32 $0xFFFFFFFE, s16;
	v7 =	vld.idx.msk [tilespmem:v9+s2+$0x0], $0xffff  }
0x1d3: {  	v8 =	vadd.s32 s19, v1  }
0x1d4: {  	v9 =	vadd.s32 $0x4, v6;
	_ =	sdelay $0x3  }
0x1d5: {  	[tilespmem:v8+s14+$0x0] =	vst.idx.msk $0xffff, v7  }
0x1d6: {  	s19 =	sadd.s32 $0xFFFFFFFF, s16;
	v7 =	vld.idx.msk [tilespmem:v9+s2+$0x0], $0xffff  }
0x1d7: {  	v8 =	vadd.s32 s19, v1  }
0x1d8: {  	v6 =	vadd.s32 $0x5, v6;
	_ =	sdelay $0x2  }
.Ltmp10:
0x1d9: {  	(pc) =	sbr.rel @p0 .LBB2_16-.Ltmp10, $4  }
0x1da: {  	[tilespmem:v8+s14+$0x0] =	vst.idx.msk $0xffff, v7  }
0x1db: {  	v6 =	vld.idx.msk [tilespmem:v6+s2+$0x0], $0xffff  }
0x1dc: {  	v8 =	vadd.s32 s16, v1  }
0x1dd: {  	v7 =	vor.u32 s18, v0  }
0x1de: {  	_ =	sdelay $0x3  }
0x1df: {  	[tilespmem:v8+s14+$0x0] =	vst.idx.msk $0xffff, v6  }
0x1e0: {  	v6 =	vld.idx.msk [tilespmem:v7+s13+$0x0], $0xffff;
	_ =	sdelay $0x4  }
0x1e1: {  	v6 =	vmul.u32 $0x6, v6;
	_ =	sdelay $0x3  }
0x1e2: {  	s16 =	sadd.s32 $0x60, s16  }
0x1e3: {  	s17 =	sadd.s32 $0xFFFFFFFB, s16  }
0x1e4: {  	v56 =	vadd.s32 s17, v1;
	v7 =	vld.idx.msk [tilespmem:v6+s2+$0x0], $0xffff  }
0x1e5: {  	v9 =	vor.u32 $0x1, v6;
	_ =	sdelay $0x3  }
0x1e6: {  	s28 =	sadd.s32 $0xFFFFFFFC, s16;
	[tilespmem:v56+s14+$0x0] =	vst.idx.msk $0xffff, v7  }
0x1e7: {  	v57 =	vadd.s32 s28, v1;
	v7 =	vld.idx.msk [tilespmem:v9+s2+$0x0], $0xffff  }
0x1e8: {  	v58 =	vadd.s32 $0x2, v6;
	_ =	sdelay $0x3  }
0x1e9: {  	s29 =	sadd.s32 $0xFFFFFFFD, s16;
	[tilespmem:v57+s14+$0x0] =	vst.idx.msk $0xffff, v7  }
0x1ea: {  	v59 =	vadd.s32 s29, v1;
	v7 =	vld.idx.msk [tilespmem:v58+s2+$0x0], $0xffff  }
0x1eb: {  	v60 =	vadd.s32 $0x3, v6;
	_ =	sdelay $0x3  }
0x1ec: {  	s30 =	sadd.s32 $0xFFFFFFFE, s16;
	[tilespmem:v59+s14+$0x0] =	vst.idx.msk $0xffff, v7  }
0x1ed: {  	v61 =	vadd.s32 s30, v1;
	v7 =	vld.idx.msk [tilespmem:v60+s2+$0x0], $0xffff  }
0x1ee: {  	v62 =	vadd.s32 $0x4, v6;
	_ =	sdelay $0x3  }
0x1ef: {  	s31 =	sadd.s32 $0xFFFFFFFF, s16;
	[tilespmem:v61+s14+$0x0] =	vst.idx.msk $0xffff, v7  }
0x1f0: {  	v63 =	vadd.s32 s31, v1;
	v7 =	vld.idx.msk [tilespmem:v62+s2+$0x0], $0xffff  }
0x1f1: {  	v6 =	vadd.s32 $0x5, v6;
	_ =	sdelay $0x3  }
0x1f2: {  	[tilespmem:v63+s14+$0x0] =	vst.idx.msk $0xffff, v7  }
0x1f3: {  	v7 =	vadd.s32 s16, v1;
	v6 =	vld.idx.msk [tilespmem:v6+s2+$0x0], $0xffff;
	_ =	sdelay $0x2  }
0x1f4: {  	s15 =	sadd.s32 $0x1, s15  }
0x1f5: {  	p0 =	sne.s32 s15, s8  }
.Ltmp11:
0x1f6: {  	[tilespmem:v7+s14+$0x0] =	vst.idx.msk $0xffff, v6;
	(pc) =	sbr.rel @p0 .LBB2_1-.Ltmp11, $4  }
0x1f7: {  	[hbm4b:s7+s2] =	stream.linear.scatter [tilespmem:s14], [sflag:$0x1], $0x1800, $0x38;
	[tilespmem:$0x1E000] =	vst v63  }
0x1f8: {  	_ =	swait.ge [sflag:s11], $0x1800  }
0x1f9: {  	[sflag:s11] =	ssyncset.done $0x0  }
0x1fa: {  	[sflag:s11] =	ssyncadd.s32 $0xFFFFE800  }
0x1fb: {  	_ =	sfence.sel $0x180000  }
0x1fc: {  	[bflag:$0x0] =	sbarrier.arrive $0xFFFF  }
0x1fd: {  	p0 =	sne.s32 s1, $0x0;
	_ =	strace $0x90000047  }
0x1fe: {  	s0 =	sadd.s32 @!p0 $0x100000, s0;
	[bflag:$0x2] =	sbarrier.arrive $0xFFFF  }
0x1ff: {  	[sflag:s0] =	ssyncadd.tile.s32 @!p0 $0x1;
	_ =	shalt  }
.Lfunc_end2:
_tile_overlayer_lowered:
.L_overlay_start_2:
0x200: {  	(tag) =	ssettag $0x2  }
0x201: {  	s0 =	rddreg [dreg:$0x0];
	s2 =	stileid.u32  }
0x202: {  	s1 =	rddreg [dreg:$0x1];
	p0 =	sne.s32 s2, $0x0  }
0x203: {  	s3 =	rddreg [dreg:$0x2];
	[bflag:$0x3] =	sbarrier.arrive $0xFFFF;
	s2 =	simm.s32 @!p0 $0x1C01  }
0x204: {  	[timem:s3], [sflag:s2] =	dma.local @!p0 [hbm:s0], s1  }
0x205: {  	s0 =	simm.s32 @!p0 $0x1  }
0x206: {  	_ =	swait.ge @!p0 [sflag:s0], s1  }
0x207: {  	s1 =	ssub.s32 @!p0 $0x0, s1;
	[sflag:s0] =	ssyncset.done @!p0 $0x0  }
0x208: {  	[sflag:s0] =	ssyncadd.s32 @!p0 s1  }
0x209: {  	[bflag:$0x3] =	sbarrier.arrive $0xFFFF  }
0x20a: {  	_ =	shalt  }

</sc_bundles>
